<compile_context>
chip_gen: v7x
topology: tpu7x:2x2x1
jax: 0.10.2.dev20260603
libtpu: 0.0.44.dev20260713+nightly
codegen_flags: <defaults>
</compile_context>

<pallas_src>
import functools

import jax
import jax.numpy as jnp
from jax import lax
from jax.experimental import pallas as pl
from jax.experimental.pallas import tpu as pltpu
from jax.experimental.pallas import tpu_sc as plsc

_B, _T, _A, _F = 2, 4, 2048, 128
_E = 32768
_DE = 16
_R = 128
_NRES = 128
_BT = _B * _T

_NPART = 4
_EPT = _E // _NPART
_VPT = _EPT // 16
_CROWS = _NRES // _NPART
_CCELLS = _CROWS * _NRES


def _sc_kernel_body(srcdst, ca, resmap, enc_out, idx_out,
                    src_v, dst_v, ca_v, res_v, grid_v, bit_v,
                    enc_a, enc_b, idx_row, shared):
    c = lax.axis_index("c")
    s = lax.axis_index("s")
    sl = c * 4 + s // 4
    ls = s // 4
    k = s % 4
    b = sl // _T

    lane = lax.broadcasted_iota(jnp.int32, (16,), 0)
    one16 = jnp.full((16,), 1, jnp.int32)

    pltpu.sync_copy(resmap.at[pl.ds(b * _A, _A)], res_v)
    pltpu.sync_copy(ca.at[pl.ds(sl * _A, _A)], ca_v)
    ebase = sl * (2 * _E)
    pltpu.sync_copy(srcdst.at[pl.ds(ebase + k * _EPT, _EPT)], src_v)
    pltpu.sync_copy(srcdst.at[pl.ds(ebase + _E + k * _EPT, _EPT)], dst_v)

    def init_body(i, _):
        grid_v[pl.ds(i * 16, 16)] = jnp.full((16,), -1, jnp.int32)
        bit_v[pl.ds(i * 16, 16)] = jnp.zeros((16,), jnp.int32)
        return 0
    lax.fori_loop(0, (_NRES * _NRES) // 16, init_body, 0, unroll=4)

    def scatter_pass(phase):
        enc_base = k * _EPT + (phase * _E)

        def body(i, _):
            sv = src_v[pl.ds(i * 16, 16)]
            dv = dst_v[pl.ds(i * 16, 16)]
            cs = plsc.load_gather(ca_v, [sv])
            cd = plsc.load_gather(ca_v, [dv])
            keep = (cs > 0.5) & (cd > 0.5)
            rs = plsc.load_gather(res_v, [sv])
            rd = plsc.load_gather(res_v, [dv])
            if phase == 0:
                cells = rs * _NRES + rd
            else:
                cells = rd * _NRES + rs
            enc = (enc_base + i * 16) + lane
            plsc.addupdate_scatter(bit_v, [cells],
                                   lax.shift_left(one16, lane), mask=keep)
            g = plsc.load_gather(bit_v, [cells])
            above = -lax.shift_left(one16 + one16, lane)
            keep_w = keep & ((g & above) == 0)
            plsc.store_scatter(bit_v, [cells], jnp.zeros((16,), jnp.int32),
                               mask=keep)
            plsc.store_scatter(grid_v, [cells], enc, mask=keep_w)
            return 0
        lax.fori_loop(0, _VPT, body, 0)

    scatter_pass(0)
    scatter_pass(1)

    pltpu.sync_copy(grid_v, shared.at[ls, k])
    plsc.subcore_barrier()

    off = k * _CCELLS
    pltpu.sync_copy(shared.at[ls, 0, pl.ds(off, _CCELLS)], enc_a)

    def merge_part(p):
        pltpu.sync_copy(shared.at[ls, p, pl.ds(off, _CCELLS)], enc_b)

        def mbody(j, _):
            va = enc_a[pl.ds(j * 16, 16)]
            vb = enc_b[pl.ds(j * 16, 16)]
            enc_a[pl.ds(j * 16, 16)] = jnp.maximum(va, vb)
            return 0
        lax.fori_loop(0, _CCELLS // 16, mbody, 0, unroll=4)

    merge_part(1)
    merge_part(2)
    merge_part(3)

    out_base = sl * (_NRES * _NRES) + off
    pltpu.sync_copy(enc_a, enc_out.at[pl.ds(out_base, _CCELLS)])

    def idx_body(jj, _):
        v = enc_a[pl.ds(jj * 16, 16)]
        has = v >= 0
        e = jnp.where(v >= _E, v - _E, v)
        dummy = (off + jj * 16) + lane
        e = jnp.where(has, e, dummy)
        idx_row[pl.ds(jj * 16, 16)] = e + sl * _E
        return 0
    lax.fori_loop(0, _CCELLS // 16, idx_body, 0, unroll=4)
    pltpu.sync_copy(idx_row, idx_out.at[pl.ds(out_base, _CCELLS)])


def _scg_kernel_body(idx_in, ea, easel, idx_v, attr_v, sem):
    c = lax.axis_index("c")
    s = lax.axis_index("s")
    sl = c * 4 + s // 4
    k = s % 4
    out_base = sl * (_NRES * _NRES) + k * _CCELLS
    half = _CCELLS // 2
    pltpu.sync_copy(idx_in.at[pl.ds(out_base, _CCELLS)], idx_v)
    cp = pltpu.async_copy(ea.at[idx_v.at[pl.ds(0, half)]], attr_v, sem)
    cp.wait()
    pltpu.sync_copy(attr_v, easel.at[pl.ds(out_base, half)])
    cp = pltpu.async_copy(ea.at[idx_v.at[pl.ds(half, half)]], attr_v, sem)
    cp.wait()
    pltpu.sync_copy(attr_v, easel.at[pl.ds(out_base + half, half)])


def _sc_call(srcdst, ca, resmap):
    kern = pl.kernel(
        _sc_kernel_body,
        out_type=(
            jax.ShapeDtypeStruct((_BT * _NRES * _NRES,), jnp.int32),
            jax.ShapeDtypeStruct((_BT * _NRES * _NRES,), jnp.int32),
        ),
        mesh=plsc.VectorSubcoreMesh(core_axis_name="c", subcore_axis_name="s"),
        compiler_params=pltpu.CompilerParams(needs_layout_passes=False,
                                             use_tc_tiling_on_sc=False),
        scratch_types=[
            pltpu.VMEM((_EPT,), jnp.int32),
            pltpu.VMEM((_EPT,), jnp.int32),
            pltpu.VMEM((_A,), jnp.float32),
            pltpu.VMEM((_A,), jnp.int32),
            pltpu.VMEM((_NRES * _NRES,), jnp.int32),
            pltpu.VMEM((_NRES * _NRES,), jnp.int32),
            pltpu.VMEM((_CCELLS,), jnp.int32),
            pltpu.VMEM((_CCELLS,), jnp.int32),
            pltpu.VMEM((_CCELLS,), jnp.int32),
            pltpu.VMEM_SHARED((4, _NPART, _NRES * _NRES), jnp.int32),
        ],
    )
    return kern(srcdst, ca, resmap)


def _scg_call(idx_flat, ea):
    kern = pl.kernel(
        _scg_kernel_body,
        out_type=jax.ShapeDtypeStruct((_BT * _NRES * _NRES, _DE),
                                      jnp.float32),
        mesh=plsc.VectorSubcoreMesh(core_axis_name="c", subcore_axis_name="s"),
        compiler_params=pltpu.CompilerParams(needs_layout_passes=False,
                                             use_tc_tiling_on_sc=False),
        scratch_types=[
            pltpu.VMEM((_CCELLS,), jnp.int32),
            pltpu.VMEM((_CCELLS // 2, _DE), jnp.float32),
            pltpu.SemaphoreType.DMA,
        ],
    )
    return kern(idx_flat, ea)


def _tca_kernel_body(feats_ref, ressub_ref, reslane_ref,
                     Wa_ref, ba_ref, Wc_ref,
                     node_out_ref, p1_ref, p2_ref):
    feats = feats_ref[0, 0]
    ids = ressub_ref[0]
    x = feats
    s = 1
    while s < _A:
        xs = jnp.concatenate(
            [jnp.full((s, _F), -jnp.inf, jnp.float32), x[:-s]], axis=0)
        ids_s = jnp.concatenate(
            [jnp.full((s, _F), -1, jnp.int32), ids[:-s]], axis=0)
        x = jnp.where(ids_s == ids, jnp.maximum(x, xs), x)
        s *= 2
    res_row = reslane_ref[0, 0:1, :]
    r_col = lax.broadcasted_iota(jnp.int32, (_NRES, _A), 0)
    le = (res_row <= r_col).astype(jnp.float32)
    hi = jnp.sum(le, axis=1, keepdims=True)
    cnt = jnp.sum((res_row == r_col).astype(jnp.float32),
                  axis=1, keepdims=True)
    occ = cnt > 0.5
    a_io = lax.broadcasted_iota(jnp.int32, (_NRES, _A), 1)
    sel = (a_io == (hi.astype(jnp.int32) - 1)).astype(jnp.float32)
    segmax = jnp.dot(sel, x, preferred_element_type=jnp.float32)
    aggregated = jnp.where(occ, segmax, 0.0)
    proj = jnp.dot(aggregated, Wa_ref[...],
                   preferred_element_type=jnp.float32) + ba_ref[...]
    node_out_ref[0, 0] = jnp.where(occ, proj, 0.0)
    p1_ref[0, 0] = jnp.dot(proj, Wc_ref[0:_R],
                           preferred_element_type=jnp.float32)
    p2_ref[0, 0] = jnp.dot(proj, Wc_ref[_R:2 * _R],
                           preferred_element_type=jnp.float32)


def _tca_call(feats, ressub, reslane, Wa, ba2, Wc):
    grid = (_B, _T)
    out_shapes = (
        jax.ShapeDtypeStruct((_B, _T, _NRES, _R), jnp.float32),
        jax.ShapeDtypeStruct((_B, _T, _NRES, _R), jnp.float32),
        jax.ShapeDtypeStruct((_B, _T, _NRES, _R), jnp.float32),
    )
    return pl.pallas_call(
        _tca_kernel_body,
        grid=grid,
        in_specs=[
            pl.BlockSpec((1, 1, _A, _F), lambda b, t: (b, t, 0, 0)),
            pl.BlockSpec((1, _A, _F), lambda b, t: (b, 0, 0)),
            pl.BlockSpec((1, 8, _A), lambda b, t: (b, 0, 0)),
            pl.BlockSpec((_F, _R), lambda b, t: (0, 0)),
            pl.BlockSpec((1, _R), lambda b, t: (0, 0)),
            pl.BlockSpec((3 * _R, _R), lambda b, t: (0, 0)),
        ],
        out_specs=(
            pl.BlockSpec((1, 1, _NRES, _R), lambda b, t: (b, t, 0, 0)),
            pl.BlockSpec((1, 1, _NRES, _R), lambda b, t: (b, t, 0, 0)),
            pl.BlockSpec((1, 1, _NRES, _R), lambda b, t: (b, t, 0, 0)),
        ),
        out_shape=out_shapes,
    )(feats, ressub, reslane, Wa, ba2, Wc)


def _tcb_kernel_body(enc_ref, attr_ref, p1_ref, p2_ref,
                     We_ref, be_ref, Wc_ref, bc_ref, gam_ref, bet_ref,
                     edge_out_ref):
    enc = enc_ref[0, 0, 0]
    attr = attr_ref[0, 0, 0]
    Wc3 = Wc_ref[2 * _R:3 * _R]
    Wep = jnp.dot(We_ref[...], Wc3, preferred_element_type=jnp.float32)
    bprime = bc_ref[...] + jnp.dot(be_ref[...], Wc3,
                                   preferred_element_type=jnp.float32)
    ri = lax.broadcasted_iota(jnp.int32, (_R, 8 * _R), 0)
    ci = lax.broadcasted_iota(jnp.int32, (_R, 8 * _R), 1)
    wtile = jnp.tile(Wep, (8, 8))
    wbig = jnp.where((ri // _DE) == (ci // _R), wtile, 0.0)
    eaw = jnp.dot(attr, wbig, preferred_element_type=jnp.float32)
    eaw = eaw.reshape(_CCELLS // 8, 8, _R).reshape(_CROWS, _NRES, _R)
    i0 = pl.program_id(2) * _CROWS
    P1 = p1_ref[0, 0]
    P2 = p2_ref[0, 0]
    P1c = p1_ref[0, 0, pl.ds(i0, _CROWS), :]
    P2c = p2_ref[0, 0, pl.ds(i0, _CROWS), :]
    A1 = P1c[:, None, :] + P2[None, :, :]
    A2 = P2c[:, None, :] + P1[None, :, :]
    enc3 = lax.broadcast_in_dim(enc, (_CROWS, _NRES, _R), (0, 1))
    phase3 = enc3 < _E
    has3 = enc3 >= 0
    pre = jnp.where(phase3, A1, A2) + eaw + bprime.reshape(1, 1, _R)
    h = jnp.maximum(pre, 0.0)
    mu = jnp.mean(h, axis=-1, keepdims=True)
    var = jnp.mean((h - mu) ** 2, axis=-1, keepdims=True)
    ln = (gam_ref[...].reshape(1, 1, _R) * (h - mu)
          / jnp.sqrt(var + 1e-5) + bet_ref[...].reshape(1, 1, _R))
    edge_out_ref[0, 0] = jnp.where(has3, ln, 0.0)


def _tcb_call(enc5, attr5, p1, p2, We, be2, Wc, bc2, gam2, bet2):
    grid = (_B, _T, _NPART)
    return pl.pallas_call(
        _tcb_kernel_body,
        grid=grid,
        in_specs=[
            pl.BlockSpec((1, 1, 1, _CROWS, _NRES),
                         lambda b, t, ic: (b, t, ic, 0, 0)),
            pl.BlockSpec((1, 1, 1, _CCELLS // 8, _R),
                         lambda b, t, ic: (b, t, ic, 0, 0)),
            pl.BlockSpec((1, 1, _NRES, _R), lambda b, t, ic: (b, t, 0, 0)),
            pl.BlockSpec((1, 1, _NRES, _R), lambda b, t, ic: (b, t, 0, 0)),
            pl.BlockSpec((_DE, _R), lambda b, t, ic: (0, 0)),
            pl.BlockSpec((1, _R), lambda b, t, ic: (0, 0)),
            pl.BlockSpec((3 * _R, _R), lambda b, t, ic: (0, 0)),
            pl.BlockSpec((1, _R), lambda b, t, ic: (0, 0)),
            pl.BlockSpec((1, _R), lambda b, t, ic: (0, 0)),
            pl.BlockSpec((1, _R), lambda b, t, ic: (0, 0)),
        ],
        out_specs=pl.BlockSpec((1, 1, _CROWS, _NRES, _R),
                               lambda b, t, ic: (b, t, ic, 0, 0)),
        out_shape=jax.ShapeDtypeStruct((_B, _T, _NRES, _NRES, _R),
                                       jnp.float32),
    )(enc5, attr5, p1, p2, We, be2, Wc, bc2, gam2, bet2)


def kernel(atom_features, residue_indices, edge_index, edge_attr,
           Wa, ba, We, be, Wc, bc, gamma, beta):
    atom_features = atom_features.astype(jnp.float32)
    residue_indices = residue_indices.astype(jnp.int32)
    edge_index = edge_index.astype(jnp.int32)
    edge_attr = edge_attr.astype(jnp.float32)

    srcdst = edge_index.reshape(-1)
    ca = atom_features[..., 1].reshape(-1)
    resflat = residue_indices.reshape(-1)
    eaflat = edge_attr.reshape(-1, _DE)

    enc_flat, idx_flat = _sc_call(srcdst, ca, resflat)
    easel = _scg_call(idx_flat, eaflat)

    enc5 = enc_flat.reshape(_B, _T, _NPART, _CROWS, _NRES)
    attr5 = easel.reshape(_B, _T, _NPART, _CCELLS // 8, _R)
    ressub = jnp.broadcast_to(residue_indices[:, :, None], (_B, _A, _F))
    reslane = jnp.broadcast_to(residue_indices[:, None, :], (_B, 8, _A))

    node_out, p1, p2 = _tca_call(
        atom_features, ressub, reslane, Wa, ba.reshape(1, _R), Wc)
    edge_out = _tcb_call(
        enc5, attr5, p1, p2, We, be.reshape(1, _R), Wc,
        bc.reshape(1, _R), gamma.reshape(1, _R), beta.reshape(1, _R))
    return (edge_out, node_out)

# --- scband reference (transcript-rebuilt; emitter-appended) ---
"""Pipeline reference for scband-atom-to-residue-79791902425331 (READ-ONLY COPY).

The authoritative reference and input builder live on the scoring server;
editing this copy changes nothing except your own understanding.
"""

import jax, jax.numpy as jnp
import numpy as np

B, T, A, F = 2, 4, 2048, 128
E = 32768
DE = 16
R = 128
NRES_MAX = 128


def setup_inputs(seed: int = 0) -> dict:
    key = jax.random.key(seed)
    ks = jax.random.split(key, 12)
    atom_features = jax.random.normal(ks[0], (B, T, A, F), dtype=jnp.float32)
    residue_indices = jnp.sort(jax.random.randint(ks[1], (B, A), 0, NRES_MAX), axis=-1)
    edge_index = jax.random.randint(ks[2], (B, T, 2, E), 0, A)
    edge_attr = jax.random.normal(ks[3], (B, T, E, DE), dtype=jnp.float32)
    Wa = jax.random.normal(ks[4], (F, R), dtype=jnp.float32) * (1.0 / np.sqrt(F))
    ba = jax.random.normal(ks[5], (R,), dtype=jnp.float32) * 0.02
    We = jax.random.normal(ks[6], (DE, R), dtype=jnp.float32) * (1.0 / np.sqrt(DE))
    be = jax.random.normal(ks[7], (R,), dtype=jnp.float32) * 0.02
    Wc = jax.random.normal(ks[8], (3 * R, R), dtype=jnp.float32) * (1.0 / np.sqrt(3 * R))
    bc = jax.random.normal(ks[9], (R,), dtype=jnp.float32) * 0.02
    gamma = jnp.ones((R,), dtype=jnp.float32)
    beta = jnp.zeros((R,), dtype=jnp.float32)
    return {"atom_features": atom_features, "residue_indices": residue_indices,
            "edge_index": edge_index, "edge_attr": edge_attr,
            "Wa": Wa, "ba": ba, "We": We, "be": be, "Wc": Wc, "bc": bc,
            "gamma": gamma, "beta": beta}


def _layernorm(x, gamma, beta, eps=1e-5):
    mu = jnp.mean(x, axis=-1, keepdims=True)
    var = jnp.mean((x - mu) ** 2, axis=-1, keepdims=True)
    return gamma * (x - mu) / jnp.sqrt(var + eps) + beta


def reference(atom_features, residue_indices, edge_index, edge_attr,
              Wa, ba, We, be, Wc, bc, gamma, beta):
    Bs, Ts, As, Fs = atom_features.shape
    num_res = NRES_MAX
    Rd = ba.shape[0]
    residue_node = jnp.zeros((Bs, Ts, num_res, Rd), dtype=jnp.float32)
    residue_edge = jnp.zeros((Bs, Ts, num_res, num_res, Rd), dtype=jnp.float32)
    for b in range(Bs):
        res_map = residue_indices[b]
        counts = jax.ops.segment_sum(jnp.ones((As,), dtype=jnp.float32), res_map, num_segments=num_res)
        occ = counts[:, None] > 0
        for t in range(Ts):
            atom_feats = atom_features[b, t]
            # per-residue max pooling of atom features (zeros for empty residues)
            segmax = jax.ops.segment_max(atom_feats, res_map, num_segments=num_res)
            aggregated = jnp.where(occ, segmax, 0.0)
            atom_feats_proj = aggregated @ Wa + ba
            node = jnp.where(occ, atom_feats_proj, 0.0)
            residue_node = residue_node.at[b, t].set(node)
            # CA atoms: feature channel 1 > 0.5
            ca_mask = atom_feats[:, 1] > 0.5
            src = edge_index[b, t, 0]
            dst = edge_index[b, t, 1]
            keep = ca_mask[src] & ca_mask[dst]
            src_res = res_map[src]
            dst_res = res_map[dst]
            edge_feats_proj = edge_attr[b, t] @ We + be
            combined = jnp.concatenate([atom_feats_proj[src_res], atom_feats_proj[dst_res], edge_feats_proj], axis=-1)
            combined = _layernorm(jax.nn.relu(combined @ Wc + bc), gamma, beta)
            # scatter-overwrite into symmetric residue-pair matrix; dropped edges
            # are routed to a padding row/col that is sliced off
            src_w = jnp.where(keep, src_res, num_res)
            dst_w = jnp.where(keep, dst_res, num_res)
            pad = jnp.zeros((num_res + 1, num_res + 1, Rd), dtype=jnp.float32)
            pad = pad.at[src_w, dst_w].set(combined)
            pad = pad.at[dst_w, src_w].set(combined)
            residue_edge = residue_edge.at[b, t].set(pad[:num_res, :num_res])
    return (residue_edge, residue_node)

if __name__ == "__main__":
    import jax
    _d = setup_inputs()
    print(jax.jit(kernel)(*tuple(_d.values())))

</pallas_src>

<mosaic_0001>
#map = affine_map<(d0, d1) -> (0)>
module attributes {stable_mosaic.version = 14 : i64} {
  func.func @_sc_kernel_body(%arg0: i32, %arg1: i32, %arg2: memref<524288xi32, #tpu.memory_space<hbm>>, %arg3: memref<16384xf32, #tpu.memory_space<hbm>>, %arg4: memref<4096xi32, #tpu.memory_space<hbm>>, %arg5: memref<131072xi32, #tpu.memory_space<hbm>>, %arg6: memref<131072xi32, #tpu.memory_space<hbm>>, %arg7: memref<8192xi32, #tpu.memory_space<vmem>>, %arg8: memref<8192xi32, #tpu.memory_space<vmem>>, %arg9: memref<2048xf32, #tpu.memory_space<vmem>>, %arg10: memref<2048xi32, #tpu.memory_space<vmem>>, %arg11: memref<16384xi32, #tpu.memory_space<vmem>>, %arg12: memref<16384xi32, #tpu.memory_space<vmem>>, %arg13: memref<4096xi32, #tpu.memory_space<vmem>>, %arg14: memref<4096xi32, #tpu.memory_space<vmem>>, %arg15: memref<4096xi32, #tpu.memory_space<vmem>>, %arg16: memref<4x4x16384xi32, #tpu.memory_space<vmem_shared>>) attributes {dimension_semantics = [#tpu.dimension_semantics<core_parallel>, #tpu.dimension_semantics<subcore_parallel>], iteration_bounds = array<i64: 2, 16>, scalar_prefetch = 0 : i64, scratch_operands = 10 : i64, tpu.core_type = #tpu.core_type<sc_vector_subcore>, window_params = [{transform_indices = #map}, {transform_indices = #map}, {transform_indices = #map}, {transform_indices = #map}, {transform_indices = #map}]} {
    %mul3A = arith.constant 4 : i32
    %mul3A_0 = arith.muli %arg0, %mul3A : i32
    %jit3A = arith.constant 4 : i32
    %div3A = arith.divsi %arg1, %jit3A : i32
    %sign3A = arith.constant 0 : i32
    %sign3A_1 = arith.cmpi sgt, %arg1, %sign3A : i32
    %sign3A_2 = arith.extui %sign3A_1 : i1 to i32
    %sign3A_3 = arith.constant 0 : i32
    %sign3A_4 = arith.cmpi slt, %arg1, %sign3A_3 : i32
    %sign3A_5 = arith.extui %sign3A_4 : i1 to i32
    %sign3A_6 = arith.subi %sign3A_2, %sign3A_5 : i32
    %sign3A_7 = arith.constant 0 : i32
    %sign3A_8 = arith.cmpi sgt, %jit3A, %sign3A_7 : i32
    %sign3A_9 = arith.extui %sign3A_8 : i1 to i32
    %sign3A_10 = arith.constant 0 : i32
    %sign3A_11 = arith.cmpi slt, %jit3A, %sign3A_10 : i32
    %sign3A_12 = arith.extui %sign3A_11 : i1 to i32
    %sign3A_13 = arith.subi %sign3A_9, %sign3A_12 : i32
    %ne3A = arith.cmpi ne, %sign3A_6, %sign3A_13 : i32
    %rem3A = arith.remsi %arg1, %jit3A : i32
    %ne3A_14 = arith.constant 0 : i32
    %ne3A_15 = arith.cmpi ne, %rem3A, %ne3A_14 : i32
    %and3A = arith.andi %ne3A, %ne3A_15 : i1
    %sub3A = arith.constant 1 : i32
    %sub3A_16 = arith.subi %div3A, %sub3A : i32
    %select_n3A = arith.select %and3A, %sub3A_16, %div3A : i32
    %add3A = arith.addi %mul3A_0, %select_n3A : i32
    %jit3A_17 = arith.constant 4 : i32
    %div3A_18 = arith.divsi %arg1, %jit3A_17 : i32
    %sign3A_19 = arith.constant 0 : i32
    %sign3A_20 = arith.cmpi sgt, %arg1, %sign3A_19 : i32
    %sign3A_21 = arith.extui %sign3A_20 : i1 to i32
    %sign3A_22 = arith.constant 0 : i32
    %sign3A_23 = arith.cmpi slt, %arg1, %sign3A_22 : i32
    %sign3A_24 = arith.extui %sign3A_23 : i1 to i32
    %sign3A_25 = arith.subi %sign3A_21, %sign3A_24 : i32
    %sign3A_26 = arith.constant 0 : i32
    %sign3A_27 = arith.cmpi sgt, %jit3A_17, %sign3A_26 : i32
    %sign3A_28 = arith.extui %sign3A_27 : i1 to i32
    %sign3A_29 = arith.constant 0 : i32
    %sign3A_30 = arith.cmpi slt, %jit3A_17, %sign3A_29 : i32
    %sign3A_31 = arith.extui %sign3A_30 : i1 to i32
    %sign3A_32 = arith.subi %sign3A_28, %sign3A_31 : i32
    %ne3A_33 = arith.cmpi ne, %sign3A_25, %sign3A_32 : i32
    %rem3A_34 = arith.remsi %arg1, %jit3A_17 : i32
    %ne3A_35 = arith.constant 0 : i32
    %ne3A_36 = arith.cmpi ne, %rem3A_34, %ne3A_35 : i32
    %and3A_37 = arith.andi %ne3A_33, %ne3A_36 : i1
    %sub3A_38 = arith.constant 1 : i32
    %sub3A_39 = arith.subi %div3A_18, %sub3A_38 : i32
    %select_n3A_40 = arith.select %and3A_37, %sub3A_39, %div3A_18 : i32
    %jit3A_41 = arith.constant 4 : i32
    %eq3A = arith.constant 0 : i32
    %eq3A_42 = arith.cmpi eq, %jit3A_41, %eq3A : i32
    %jit3A_43 = arith.constant 1 : i32
    %select_n3A_44 = arith.select %eq3A_42, %jit3A_43, %jit3A_41 : i32
    %rem3A_45 = arith.remsi %arg1, %select_n3A_44 : i32
    %ne3A_46 = arith.constant 0 : i32
    %ne3A_47 = arith.cmpi ne, %rem3A_45, %ne3A_46 : i32
    %lt3A = arith.constant 0 : i32
    %lt3A_48 = arith.cmpi slt, %rem3A_45, %lt3A : i32
    %lt3A_49 = arith.constant 0 : i32
    %lt3A_50 = arith.cmpi slt, %select_n3A_44, %lt3A_49 : i32
    %ne3A_51 = arith.xori %lt3A_48, %lt3A_50 : i1
    %and3A_52 = arith.andi %ne3A_51, %ne3A_47 : i1
    %add3A_53 = arith.addi %rem3A_45, %select_n3A_44 : i32
    %select_n3A_54 = arith.select %and3A_52, %add3A_53, %rem3A_45 : i32
    %jit3A_55 = arith.constant 4 : i32
    %div3A_56 = arith.divsi %add3A, %jit3A_55 : i32
    %sign3A_57 = arith.constant 0 : i32
    %sign3A_58 = arith.cmpi sgt, %add3A, %sign3A_57 : i32
    %sign3A_59 = arith.extui %sign3A_58 : i1 to i32
    %sign3A_60 = arith.constant 0 : i32
    %sign3A_61 = arith.cmpi slt, %add3A, %sign3A_60 : i32
    %sign3A_62 = arith.extui %sign3A_61 : i1 to i32
    %sign3A_63 = arith.subi %sign3A_59, %sign3A_62 : i32
    %sign3A_64 = arith.constant 0 : i32
    %sign3A_65 = arith.cmpi sgt, %jit3A_55, %sign3A_64 : i32
    %sign3A_66 = arith.extui %sign3A_65 : i1 to i32
    %sign3A_67 = arith.constant 0 : i32
    %sign3A_68 = arith.cmpi slt, %jit3A_55, %sign3A_67 : i32
    %sign3A_69 = arith.extui %sign3A_68 : i1 to i32
    %sign3A_70 = arith.subi %sign3A_66, %sign3A_69 : i32
    %ne3A_71 = arith.cmpi ne, %sign3A_63, %sign3A_70 : i32
    %rem3A_72 = arith.remsi %add3A, %jit3A_55 : i32
    %ne3A_73 = arith.constant 0 : i32
    %ne3A_74 = arith.cmpi ne, %rem3A_72, %ne3A_73 : i32
    %and3A_75 = arith.andi %ne3A_71, %ne3A_74 : i1
    %sub3A_76 = arith.constant 1 : i32
    %sub3A_77 = arith.subi %div3A_56, %sub3A_76 : i32
    %select_n3A_78 = arith.select %and3A_75, %sub3A_77, %div3A_56 : i32
    %iota3A = tpu.iota {dimensions = array<i32: 0>} : vector<16xi32>
    %broadcast_in_dim3A = arith.constant 1 : i32
    %broadcast_in_dim3A_79 = vector.broadcast %broadcast_in_dim3A : i32 to vector<16xi32>
    %mul3A_80 = arith.constant 2048 : i32
    %mul3A_81 = arith.muli %select_n3A_78, %mul3A_80 : i32
    "tpu.region"() ({
      %run_scoped3A_158 = tpu.sem_alloc : memref<!tpu.dma_semaphore, #tpu.memory_space<semaphore_mem>>
      %dma_start3A = tpu.memref_slice %arg4[%mul3A_81] : memref<4096xi32, #tpu.memory_space<hbm>> -> memref<2048xi32, #tpu.memory_space<hbm>>
      %dma_start3A_159 = tpu.memref_slice %arg4[%mul3A_81] : memref<4096xi32, #tpu.memory_space<hbm>> -> memref<2048xi32, #tpu.memory_space<hbm>>
      tpu.enqueue_dma source(%dma_start3A_159 : memref<2048xi32, #tpu.memory_space<hbm>>) target(%arg10 : memref<2048xi32, #tpu.memory_space<vmem>>) target_semaphore(%run_scoped3A_158 : memref<!tpu.dma_semaphore, #tpu.memory_space<semaphore_mem>>)
      %dma_wait3A = tpu.memref_slice %arg4[%mul3A_81] : memref<4096xi32, #tpu.memory_space<hbm>> -> memref<2048xi32, #tpu.memory_space<hbm>>
      %dma_wait3A_160 = tpu.memref_slice %arg4[%mul3A_81] : memref<4096xi32, #tpu.memory_space<hbm>> -> memref<2048xi32, #tpu.memory_space<hbm>>
      tpu.wait_dma2 semaphore(%run_scoped3A_158 : memref<!tpu.dma_semaphore, #tpu.memory_space<semaphore_mem>>) src(%dma_wait3A_160 : memref<2048xi32, #tpu.memory_space<hbm>>) dst(%arg10 : memref<2048xi32, #tpu.memory_space<vmem>>)
      tpu.yield
    }) : () -> ()
    %mul3A_82 = arith.constant 2048 : i32
    %mul3A_83 = arith.muli %add3A, %mul3A_82 : i32
    "tpu.region"() ({
      %run_scoped3A_158 = tpu.sem_alloc : memref<!tpu.dma_semaphore, #tpu.memory_space<semaphore_mem>>
      %dma_start3A = tpu.memref_slice %arg3[%mul3A_83] : memref<16384xf32, #tpu.memory_space<hbm>> -> memref<2048xf32, #tpu.memory_space<hbm>>
      %dma_start3A_159 = tpu.memref_slice %arg3[%mul3A_83] : memref<16384xf32, #tpu.memory_space<hbm>> -> memref<2048xf32, #tpu.memory_space<hbm>>
      tpu.enqueue_dma source(%dma_start3A_159 : memref<2048xf32, #tpu.memory_space<hbm>>) target(%arg9 : memref<2048xf32, #tpu.memory_space<vmem>>) target_semaphore(%run_scoped3A_158 : memref<!tpu.dma_semaphore, #tpu.memory_space<semaphore_mem>>)
      %dma_wait3A = tpu.memref_slice %arg3[%mul3A_83] : memref<16384xf32, #tpu.memory_space<hbm>> -> memref<2048xf32, #tpu.memory_space<hbm>>
      %dma_wait3A_160 = tpu.memref_slice %arg3[%mul3A_83] : memref<16384xf32, #tpu.memory_space<hbm>> -> memref<2048xf32, #tpu.memory_space<hbm>>
      tpu.wait_dma2 semaphore(%run_scoped3A_158 : memref<!tpu.dma_semaphore, #tpu.memory_space<semaphore_mem>>) src(%dma_wait3A_160 : memref<2048xf32, #tpu.memory_space<hbm>>) dst(%arg9 : memref<2048xf32, #tpu.memory_space<vmem>>)
      tpu.yield
    }) : () -> ()
    %mul3A_84 = arith.constant 65536 : i32
    %mul3A_85 = arith.muli %add3A, %mul3A_84 : i32
    %mul3A_86 = arith.constant 8192 : i32
    %mul3A_87 = arith.muli %select_n3A_54, %mul3A_86 : i32
    %add3A_88 = arith.addi %mul3A_85, %mul3A_87 : i32
    "tpu.region"() ({
      %run_scoped3A_158 = tpu.sem_alloc : memref<!tpu.dma_semaphore, #tpu.memory_space<semaphore_mem>>
      %dma_start3A = tpu.memref_slice %arg2[%add3A_88] : memref<524288xi32, #tpu.memory_space<hbm>> -> memref<8192xi32, #tpu.memory_space<hbm>>
      %dma_start3A_159 = tpu.memref_slice %arg2[%add3A_88] : memref<524288xi32, #tpu.memory_space<hbm>> -> memref<8192xi32, #tpu.memory_space<hbm>>
      tpu.enqueue_dma source(%dma_start3A_159 : memref<8192xi32, #tpu.memory_space<hbm>>) target(%arg7 : memref<8192xi32, #tpu.memory_space<vmem>>) target_semaphore(%run_scoped3A_158 : memref<!tpu.dma_semaphore, #tpu.memory_space<semaphore_mem>>)
      %dma_wait3A = tpu.memref_slice %arg2[%add3A_88] : memref<524288xi32, #tpu.memory_space<hbm>> -> memref<8192xi32, #tpu.memory_space<hbm>>
      %dma_wait3A_160 = tpu.memref_slice %arg2[%add3A_88] : memref<524288xi32, #tpu.memory_space<hbm>> -> memref<8192xi32, #tpu.memory_space<hbm>>
      tpu.wait_dma2 semaphore(%run_scoped3A_158 : memref<!tpu.dma_semaphore, #tpu.memory_space<semaphore_mem>>) src(%dma_wait3A_160 : memref<8192xi32, #tpu.memory_space<hbm>>) dst(%arg7 : memref<8192xi32, #tpu.memory_space<vmem>>)
      tpu.yield
    }) : () -> ()
    %add3A_89 = arith.constant 32768 : i32
    %add3A_90 = arith.addi %mul3A_85, %add3A_89 : i32
    %mul3A_91 = arith.constant 8192 : i32
    %mul3A_92 = arith.muli %select_n3A_54, %mul3A_91 : i32
    %add3A_93 = arith.addi %add3A_90, %mul3A_92 : i32
    "tpu.region"() ({
      %run_scoped3A_158 = tpu.sem_alloc : memref<!tpu.dma_semaphore, #tpu.memory_space<semaphore_mem>>
      %dma_start3A = tpu.memref_slice %arg2[%add3A_93] : memref<524288xi32, #tpu.memory_space<hbm>> -> memref<8192xi32, #tpu.memory_space<hbm>>
      %dma_start3A_159 = tpu.memref_slice %arg2[%add3A_93] : memref<524288xi32, #tpu.memory_space<hbm>> -> memref<8192xi32, #tpu.memory_space<hbm>>
      tpu.enqueue_dma source(%dma_start3A_159 : memref<8192xi32, #tpu.memory_space<hbm>>) target(%arg8 : memref<8192xi32, #tpu.memory_space<vmem>>) target_semaphore(%run_scoped3A_158 : memref<!tpu.dma_semaphore, #tpu.memory_space<semaphore_mem>>)
      %dma_wait3A = tpu.memref_slice %arg2[%add3A_93] : memref<524288xi32, #tpu.memory_space<hbm>> -> memref<8192xi32, #tpu.memory_space<hbm>>
      %dma_wait3A_160 = tpu.memref_slice %arg2[%add3A_93] : memref<524288xi32, #tpu.memory_space<hbm>> -> memref<8192xi32, #tpu.memory_space<hbm>>
      tpu.wait_dma2 semaphore(%run_scoped3A_158 : memref<!tpu.dma_semaphore, #tpu.memory_space<semaphore_mem>>) src(%dma_wait3A_160 : memref<8192xi32, #tpu.memory_space<hbm>>) dst(%arg8 : memref<8192xi32, #tpu.memory_space<vmem>>)
      tpu.yield
    }) : () -> ()
    %scan3A = arith.constant 0 : i32
    %scan3A_94 = arith.constant 0 : i32
    %scan3A_95 = arith.constant 1024 : i32
    %scan3A_96 = arith.addi %scan3A_94, %scan3A_95 : i32
    %scan3A_97 = arith.constant 4 : i32
    %scan3A_98 = scf.for %scan3A_158 = %scan3A_94 to %scan3A_96 step %scan3A_97 iter_args(%scan3A_159 = %scan3A) -> (i32)  : i32 {
      %broadcast_in_dim3A_160 = arith.constant -1 : i32
      %broadcast_in_dim3A_161 = vector.broadcast %broadcast_in_dim3A_160 : i32 to vector<16xi32>
      %mul3A_162 = arith.constant 16 : i32
      %mul3A_163 = arith.muli %scan3A_158, %mul3A_162 : i32
      %swap3A = arith.index_cast %mul3A_163 : i32 to index
      %swap3A_164 = tpu.vector_load %arg11[%swap3A] {strides = array<i32>} : memref<16384xi32, #tpu.memory_space<vmem>>, vector<16xi32>,
      tpu.vector_store %arg11[%swap3A], %broadcast_in_dim3A_161 {strides = array<i32>} : memref<16384xi32, #tpu.memory_space<vmem>>, vector<16xi32>,
      %broadcast_in_dim3A_165 = arith.constant 0 : i32
      %broadcast_in_dim3A_166 = vector.broadcast %broadcast_in_dim3A_165 : i32 to vector<16xi32>
      %mul3A_167 = arith.constant 16 : i32
      %mul3A_168 = arith.muli %scan3A_158, %mul3A_167 : i32
      %swap3A_169 = arith.index_cast %mul3A_168 : i32 to index
      %swap3A_170 = tpu.vector_load %arg12[%swap3A_169] {strides = array<i32>} : memref<16384xi32, #tpu.memory_space<vmem>>, vector<16xi32>,
      tpu.vector_store %arg12[%swap3A_169], %broadcast_in_dim3A_166 {strides = array<i32>} : memref<16384xi32, #tpu.memory_space<vmem>>, vector<16xi32>,
      %scan3A_171 = arith.constant 0 : i32
      %scan3A_172 = arith.constant 1 : i32
      %scan3A_173 = arith.addi %scan3A_158, %scan3A_172 : i32
      %broadcast_in_dim3A_174 = arith.constant -1 : i32
      %broadcast_in_dim3A_175 = vector.broadcast %broadcast_in_dim3A_174 : i32 to vector<16xi32>
      %mul3A_176 = arith.constant 16 : i32
      %mul3A_177 = arith.muli %scan3A_173, %mul3A_176 : i32
      %swap3A_178 = arith.index_cast %mul3A_177 : i32 to index
      %swap3A_179 = tpu.vector_load %arg11[%swap3A_178] {strides = array<i32>} : memref<16384xi32, #tpu.memory_space<vmem>>, vector<16xi32>,
      tpu.vector_store %arg11[%swap3A_178], %broadcast_in_dim3A_175 {strides = array<i32>} : memref<16384xi32, #tpu.memory_space<vmem>>, vector<16xi32>,
      %broadcast_in_dim3A_180 = arith.constant 0 : i32
      %broadcast_in_dim3A_181 = vector.broadcast %broadcast_in_dim3A_180 : i32 to vector<16xi32>
      %mul3A_182 = arith.constant 16 : i32
      %mul3A_183 = arith.muli %scan3A_173, %mul3A_182 : i32
      %swap3A_184 = arith.index_cast %mul3A_183 : i32 to index
      %swap3A_185 = tpu.vector_load %arg12[%swap3A_184] {strides = array<i32>} : memref<16384xi32, #tpu.memory_space<vmem>>, vector<16xi32>,
      tpu.vector_store %arg12[%swap3A_184], %broadcast_in_dim3A_181 {strides = array<i32>} : memref<16384xi32, #tpu.memory_space<vmem>>, vector<16xi32>,
      %scan3A_186 = arith.constant 0 : i32
      %scan3A_187 = arith.constant 2 : i32
      %scan3A_188 = arith.addi %scan3A_158, %scan3A_187 : i32
      %broadcast_in_dim3A_189 = arith.constant -1 : i32
      %broadcast_in_dim3A_190 = vector.broadcast %broadcast_in_dim3A_189 : i32 to vector<16xi32>
      %mul3A_191 = arith.constant 16 : i32
      %mul3A_192 = arith.muli %scan3A_188, %mul3A_191 : i32
      %swap3A_193 = arith.index_cast %mul3A_192 : i32 to index
      %swap3A_194 = tpu.vector_load %arg11[%swap3A_193] {strides = array<i32>} : memref<16384xi32, #tpu.memory_space<vmem>>, vector<16xi32>,
      tpu.vector_store %arg11[%swap3A_193], %broadcast_in_dim3A_190 {strides = array<i32>} : memref<16384xi32, #tpu.memory_space<vmem>>, vector<16xi32>,
      %broadcast_in_dim3A_195 = arith.constant 0 : i32
      %broadcast_in_dim3A_196 = vector.broadcast %broadcast_in_dim3A_195 : i32 to vector<16xi32>
      %mul3A_197 = arith.constant 16 : i32
      %mul3A_198 = arith.muli %scan3A_188, %mul3A_197 : i32
      %swap3A_199 = arith.index_cast %mul3A_198 : i32 to index
      %swap3A_200 = tpu.vector_load %arg12[%swap3A_199] {strides = array<i32>} : memref<16384xi32, #tpu.memory_space<vmem>>, vector<16xi32>,
      tpu.vector_store %arg12[%swap3A_199], %broadcast_in_dim3A_196 {strides = array<i32>} : memref<16384xi32, #tpu.memory_space<vmem>>, vector<16xi32>,
      %scan3A_201 = arith.constant 0 : i32
      %scan3A_202 = arith.constant 3 : i32
      %scan3A_203 = arith.addi %scan3A_158, %scan3A_202 : i32
      %broadcast_in_dim3A_204 = arith.constant -1 : i32
      %broadcast_in_dim3A_205 = vector.broadcast %broadcast_in_dim3A_204 : i32 to vector<16xi32>
      %mul3A_206 = arith.constant 16 : i32
      %mul3A_207 = arith.muli %scan3A_203, %mul3A_206 : i32
      %swap3A_208 = arith.index_cast %mul3A_207 : i32 to index
      %swap3A_209 = tpu.vector_load %arg11[%swap3A_208] {strides = array<i32>} : memref<16384xi32, #tpu.memory_space<vmem>>, vector<16xi32>,
      tpu.vector_store %arg11[%swap3A_208], %broadcast_in_dim3A_205 {strides = array<i32>} : memref<16384xi32, #tpu.memory_space<vmem>>, vector<16xi32>,
      %broadcast_in_dim3A_210 = arith.constant 0 : i32
      %broadcast_in_dim3A_211 = vector.broadcast %broadcast_in_dim3A_210 : i32 to vector<16xi32>
      %mul3A_212 = arith.constant 16 : i32
      %mul3A_213 = arith.muli %scan3A_203, %mul3A_212 : i32
      %swap3A_214 = arith.index_cast %mul3A_213 : i32 to index
      %swap3A_215 = tpu.vector_load %arg12[%swap3A_214] {strides = array<i32>} : memref<16384xi32, #tpu.memory_space<vmem>>, vector<16xi32>,
      tpu.vector_store %arg12[%swap3A_214], %broadcast_in_dim3A_211 {strides = array<i32>} : memref<16384xi32, #tpu.memory_space<vmem>>, vector<16xi32>,
      %scan3A_216 = arith.constant 0 : i32
      scf.yield %scan3A_216 : i32
    }
    %scan3A_99 = arith.constant 1024 : i32
    %mul3A_100 = arith.constant 8192 : i32
    %mul3A_101 = arith.muli %select_n3A_54, %mul3A_100 : i32
    %add3A_102 = arith.constant 0 : i32
    %add3A_103 = arith.addi %mul3A_101, %add3A_102 : i32
    %scan3A_104 = arith.constant 0 : i32
    %scan3A_105 = arith.constant 0 : i32
    %scan3A_106 = arith.constant 512 : i32
    %scan3A_107 = arith.addi %scan3A_105, %scan3A_106 : i32
    %scan3A_108 = arith.constant 1 : i32
    %scan3A_109 = scf.for %scan3A_158 = %scan3A_105 to %scan3A_107 step %scan3A_108 iter_args(%scan3A_159 = %scan3A_104) -> (i32)  : i32 {
      %mul3A_160 = arith.constant 16 : i32
      %mul3A_161 = arith.muli %scan3A_158, %mul3A_160 : i32
      %get3A = arith.index_cast %mul3A_161 : i32 to index
      %get3A_162 = tpu.vector_load %arg7[%get3A] {strides = array<i32>} : memref<8192xi32, #tpu.memory_space<vmem>>, vector<16xi32>,
      %mul3A_163 = arith.constant 16 : i32
      %mul3A_164 = arith.muli %scan3A_158, %mul3A_163 : i32
      %get3A_165 = arith.index_cast %mul3A_164 : i32 to index
      %get3A_166 = tpu.vector_load %arg8[%get3A_165] {strides = array<i32>} : memref<8192xi32, #tpu.memory_space<vmem>>, vector<16xi32>,
      %gather3A = tpu.vector_load_idx %arg9[%get3A_162] : memref<2048xf32, #tpu.memory_space<vmem>>[vector<16xi32>], vector<16xf32>,
      %gather3A_167 = tpu.vector_load_idx %arg9[%get3A_166] : memref<2048xf32, #tpu.memory_space<vmem>>[vector<16xi32>], vector<16xf32>,
      %gt3A = arith.constant 5.000000e-01 : f32
      %gt3A_168 = vector.broadcast %gt3A : f32 to vector<16xf32>
      %gt3A_169 = arith.cmpf ogt, %gather3A, %gt3A_168 : vector<16xf32>
      %gt3A_170 = arith.constant 5.000000e-01 : f32
      %gt3A_171 = vector.broadcast %gt3A_170 : f32 to vector<16xf32>
      %gt3A_172 = arith.cmpf ogt, %gather3A_167, %gt3A_171 : vector<16xf32>
      %and3A_173 = arith.andi %gt3A_169, %gt3A_172 : vector<16xi1>
      %gather3A_174 = tpu.vector_load_idx %arg10[%get3A_162] : memref<2048xi32, #tpu.memory_space<vmem>>[vector<16xi32>], vector<16xi32>,
      %gather3A_175 = tpu.vector_load_idx %arg10[%get3A_166] : memref<2048xi32, #tpu.memory_space<vmem>>[vector<16xi32>], vector<16xi32>,
      %mul3A_176 = arith.constant 128 : i32
      %mul3A_177 = vector.broadcast %mul3A_176 : i32 to vector<16xi32>
      %mul3A_178 = arith.muli %gather3A_174, %mul3A_177 : vector<16xi32>
      %add3A_179 = arith.addi %mul3A_178, %gather3A_175 : vector<16xi32>
      %mul3A_180 = arith.constant 16 : i32
      %mul3A_181 = arith.muli %scan3A_158, %mul3A_180 : i32
      %add3A_182 = arith.addi %add3A_103, %mul3A_181 : i32
      %add3A_183 = vector.broadcast %add3A_182 : i32 to vector<16xi32>
      %add3A_184 = arith.addi %add3A_183, %iota3A : vector<16xi32>
      %shift_left3A = arith.shli %broadcast_in_dim3A_79, %iota3A : vector<16xi32>
      tpu.vector_store_idx %arg12[%add3A_179], %shift_left3A masked %and3A_173 {add = true} : memref<16384xi32, #tpu.memory_space<vmem>>[vector<16xi32>], vector<16xi32>, vector<16xi1>
      %gather3A_185 = tpu.vector_load_idx %arg12[%add3A_179] : memref<16384xi32, #tpu.memory_space<vmem>>[vector<16xi32>], vector<16xi32>,
      %add3A_186 = arith.addi %broadcast_in_dim3A_79, %broadcast_in_dim3A_79 : vector<16xi32>
      %shift_left3A_187 = arith.shli %add3A_186, %iota3A : vector<16xi32>
      %neg3A = arith.constant 0 : i32
      %neg3A_188 = vector.broadcast %neg3A : i32 to vector<16xi32>
      %neg3A_189 = arith.subi %neg3A_188, %shift_left3A_187 : vector<16xi32>
      %and3A_190 = arith.andi %gather3A_185, %neg3A_189 : vector<16xi32>
      %eq3A_191 = arith.constant 0 : i32
      %eq3A_192 = vector.broadcast %eq3A_191 : i32 to vector<16xi32>
      %eq3A_193 = arith.cmpi eq, %and3A_190, %eq3A_192 : vector<16xi32>
      %and3A_194 = arith.andi %and3A_173, %eq3A_193 : vector<16xi1>
      %broadcast_in_dim3A_195 = arith.constant 0 : i32
      %broadcast_in_dim3A_196 = vector.broadcast %broadcast_in_dim3A_195 : i32 to vector<16xi32>
      tpu.vector_store_idx %arg12[%add3A_179], %broadcast_in_dim3A_196 masked %and3A_173 : memref<16384xi32, #tpu.memory_space<vmem>>[vector<16xi32>], vector<16xi32>, vector<16xi1>
      tpu.vector_store_idx %arg11[%add3A_179], %add3A_184 masked %and3A_194 : memref<16384xi32, #tpu.memory_space<vmem>>[vector<16xi32>], vector<16xi32>, vector<16xi1>
      %scan3A_197 = arith.constant 0 : i32
      scf.yield %scan3A_197 : i32
    }
    %scan3A_110 = arith.constant 512 : i32
    %mul3A_111 = arith.constant 8192 : i32
    %mul3A_112 = arith.muli %select_n3A_54, %mul3A_111 : i32
    %add3A_113 = arith.constant 32768 : i32
    %add3A_114 = arith.addi %mul3A_112, %add3A_113 : i32
    %scan3A_115 = arith.constant 0 : i32
    %scan3A_116 = arith.constant 0 : i32
    %scan3A_117 = arith.constant 512 : i32
    %scan3A_118 = arith.addi %scan3A_116, %scan3A_117 : i32
    %scan3A_119 = arith.constant 1 : i32
    %scan3A_120 = scf.for %scan3A_158 = %scan3A_116 to %scan3A_118 step %scan3A_119 iter_args(%scan3A_159 = %scan3A_115) -> (i32)  : i32 {
      %mul3A_160 = arith.constant 16 : i32
      %mul3A_161 = arith.muli %scan3A_158, %mul3A_160 : i32
      %get3A = arith.index_cast %mul3A_161 : i32 to index
      %get3A_162 = tpu.vector_load %arg7[%get3A] {strides = array<i32>} : memref<8192xi32, #tpu.memory_space<vmem>>, vector<16xi32>,
      %mul3A_163 = arith.constant 16 : i32
      %mul3A_164 = arith.muli %scan3A_158, %mul3A_163 : i32
      %get3A_165 = arith.index_cast %mul3A_164 : i32 to index
      %get3A_166 = tpu.vector_load %arg8[%get3A_165] {strides = array<i32>} : memref<8192xi32, #tpu.memory_space<vmem>>, vector<16xi32>,
      %gather3A = tpu.vector_load_idx %arg9[%get3A_162] : memref<2048xf32, #tpu.memory_space<vmem>>[vector<16xi32>], vector<16xf32>,
      %gather3A_167 = tpu.vector_load_idx %arg9[%get3A_166] : memref<2048xf32, #tpu.memory_space<vmem>>[vector<16xi32>], vector<16xf32>,
      %gt3A = arith.constant 5.000000e-01 : f32
      %gt3A_168 = vector.broadcast %gt3A : f32 to vector<16xf32>
      %gt3A_169 = arith.cmpf ogt, %gather3A, %gt3A_168 : vector<16xf32>
      %gt3A_170 = arith.constant 5.000000e-01 : f32
      %gt3A_171 = vector.broadcast %gt3A_170 : f32 to vector<16xf32>
      %gt3A_172 = arith.cmpf ogt, %gather3A_167, %gt3A_171 : vector<16xf32>
      %and3A_173 = arith.andi %gt3A_169, %gt3A_172 : vector<16xi1>
      %gather3A_174 = tpu.vector_load_idx %arg10[%get3A_162] : memref<2048xi32, #tpu.memory_space<vmem>>[vector<16xi32>], vector<16xi32>,
      %gather3A_175 = tpu.vector_load_idx %arg10[%get3A_166] : memref<2048xi32, #tpu.memory_space<vmem>>[vector<16xi32>], vector<16xi32>,
      %mul3A_176 = arith.constant 128 : i32
      %mul3A_177 = vector.broadcast %mul3A_176 : i32 to vector<16xi32>
      %mul3A_178 = arith.muli %gather3A_175, %mul3A_177 : vector<16xi32>
      %add3A_179 = arith.addi %mul3A_178, %gather3A_174 : vector<16xi32>
      %mul3A_180 = arith.constant 16 : i32
      %mul3A_181 = arith.muli %scan3A_158, %mul3A_180 : i32
      %add3A_182 = arith.addi %add3A_114, %mul3A_181 : i32
      %add3A_183 = vector.broadcast %add3A_182 : i32 to vector<16xi32>
      %add3A_184 = arith.addi %add3A_183, %iota3A : vector<16xi32>
      %shift_left3A = arith.shli %broadcast_in_dim3A_79, %iota3A : vector<16xi32>
      tpu.vector_store_idx %arg12[%add3A_179], %shift_left3A masked %and3A_173 {add = true} : memref<16384xi32, #tpu.memory_space<vmem>>[vector<16xi32>], vector<16xi32>, vector<16xi1>
      %gather3A_185 = tpu.vector_load_idx %arg12[%add3A_179] : memref<16384xi32, #tpu.memory_space<vmem>>[vector<16xi32>], vector<16xi32>,
      %add3A_186 = arith.addi %broadcast_in_dim3A_79, %broadcast_in_dim3A_79 : vector<16xi32>
      %shift_left3A_187 = arith.shli %add3A_186, %iota3A : vector<16xi32>
      %neg3A = arith.constant 0 : i32
      %neg3A_188 = vector.broadcast %neg3A : i32 to vector<16xi32>
      %neg3A_189 = arith.subi %neg3A_188, %shift_left3A_187 : vector<16xi32>
      %and3A_190 = arith.andi %gather3A_185, %neg3A_189 : vector<16xi32>
      %eq3A_191 = arith.constant 0 : i32
      %eq3A_192 = vector.broadcast %eq3A_191 : i32 to vector<16xi32>
      %eq3A_193 = arith.cmpi eq, %and3A_190, %eq3A_192 : vector<16xi32>
      %and3A_194 = arith.andi %and3A_173, %eq3A_193 : vector<16xi1>
      %broadcast_in_dim3A_195 = arith.constant 0 : i32
      %broadcast_in_dim3A_196 = vector.broadcast %broadcast_in_dim3A_195 : i32 to vector<16xi32>
      tpu.vector_store_idx %arg12[%add3A_179], %broadcast_in_dim3A_196 masked %and3A_173 : memref<16384xi32, #tpu.memory_space<vmem>>[vector<16xi32>], vector<16xi32>, vector<16xi1>
      tpu.vector_store_idx %arg11[%add3A_179], %add3A_184 masked %and3A_194 : memref<16384xi32, #tpu.memory_space<vmem>>[vector<16xi32>], vector<16xi32>, vector<16xi1>
      %scan3A_197 = arith.constant 0 : i32
      scf.yield %scan3A_197 : i32
    }
    %scan3A_121 = arith.constant 512 : i32
    "tpu.region"() ({
      %run_scoped3A_158 = tpu.sem_alloc : memref<!tpu.dma_semaphore, #tpu.memory_space<semaphore_mem>>
      %dma_start3A = arith.constant 0 : i32
      %dma_start3A_159 = tpu.memref_slice %arg16[%select_n3A_40, %select_n3A_54, %dma_start3A] : memref<4x4x16384xi32, #tpu.memory_space<vmem_shared>> -> memref<1x1x16384xi32, #tpu.memory_space<vmem_shared>>
      %dma_start3A_160 = tpu.memref_squeeze %dma_start3A_159 : memref<1x1x16384xi32, #tpu.memory_space<vmem_shared>> -> memref<16384xi32, #tpu.memory_space<vmem_shared>>
      %dma_start3A_161 = arith.constant 0 : i32
      %dma_start3A_162 = tpu.memref_slice %arg16[%select_n3A_40, %select_n3A_54, %dma_start3A_161] : memref<4x4x16384xi32, #tpu.memory_space<vmem_shared>> -> memref<1x1x16384xi32, #tpu.memory_space<vmem_shared>>
      %dma_start3A_163 = tpu.memref_squeeze %dma_start3A_162 : memref<1x1x16384xi32, #tpu.memory_space<vmem_shared>> -> memref<16384xi32, #tpu.memory_space<vmem_shared>>
      tpu.enqueue_dma source(%arg11 : memref<16384xi32, #tpu.memory_space<vmem>>) target(%dma_start3A_163 : memref<16384xi32, #tpu.memory_space<vmem_shared>>) target_semaphore(%run_scoped3A_158 : memref<!tpu.dma_semaphore, #tpu.memory_space<semaphore_mem>>)
      %dma_wait3A = arith.constant 0 : i32
      %dma_wait3A_164 = tpu.memref_slice %arg16[%select_n3A_40, %select_n3A_54, %dma_wait3A] : memref<4x4x16384xi32, #tpu.memory_space<vmem_shared>> -> memref<1x1x16384xi32, #tpu.memory_space<vmem_shared>>
      %dma_wait3A_165 = tpu.memref_squeeze %dma_wait3A_164 : memref<1x1x16384xi32, #tpu.memory_space<vmem_shared>> -> memref<16384xi32, #tpu.memory_space<vmem_shared>>
      %dma_wait3A_166 = arith.constant 0 : i32
      %dma_wait3A_167 = tpu.memref_slice %arg16[%select_n3A_40, %select_n3A_54, %dma_wait3A_166] : memref<4x4x16384xi32, #tpu.memory_space<vmem_shared>> -> memref<1x1x16384xi32, #tpu.memory_space<vmem_shared>>
      %dma_wait3A_168 = tpu.memref_squeeze %dma_wait3A_167 : memref<1x1x16384xi32, #tpu.memory_space<vmem_shared>> -> memref<16384xi32, #tpu.memory_space<vmem_shared>>
      tpu.wait_dma2 semaphore(%run_scoped3A_158 : memref<!tpu.dma_semaphore, #tpu.memory_space<semaphore_mem>>) src(%arg11 : memref<16384xi32, #tpu.memory_space<vmem>>) dst(%dma_wait3A_168 : memref<16384xi32, #tpu.memory_space<vmem_shared>>)
      tpu.yield
    }) : () -> ()
    %barrier3A = arith.constant 0 : index
    tpu.barrier barrier_id(%barrier3A)
    %mul3A_122 = arith.constant 4096 : i32
    %mul3A_123 = arith.muli %select_n3A_54, %mul3A_122 : i32
    %run_scoped3A = arith.constant 0 : i32
    "tpu.region"() ({
      %run_scoped3A_158 = tpu.sem_alloc : memref<!tpu.dma_semaphore, #tpu.memory_space<semaphore_mem>>
      %dma_start3A = tpu.memref_slice %arg16[%select_n3A_40, %run_scoped3A, %mul3A_123] : memref<4x4x16384xi32, #tpu.memory_space<vmem_shared>> -> memref<1x1x4096xi32, #tpu.memory_space<vmem_shared>>
      %dma_start3A_159 = tpu.memref_squeeze %dma_start3A : memref<1x1x4096xi32, #tpu.memory_space<vmem_shared>> -> memref<4096xi32, #tpu.memory_space<vmem_shared>>
      %dma_start3A_160 = tpu.memref_slice %arg16[%select_n3A_40, %run_scoped3A, %mul3A_123] : memref<4x4x16384xi32, #tpu.memory_space<vmem_shared>> -> memref<1x1x4096xi32, #tpu.memory_space<vmem_shared>>
      %dma_start3A_161 = tpu.memref_squeeze %dma_start3A_160 : memref<1x1x4096xi32, #tpu.memory_space<vmem_shared>> -> memref<4096xi32, #tpu.memory_space<vmem_shared>>
      tpu.enqueue_dma source(%dma_start3A_161 : memref<4096xi32, #tpu.memory_space<vmem_shared>>) target(%arg13 : memref<4096xi32, #tpu.memory_space<vmem>>) target_semaphore(%run_scoped3A_158 : memref<!tpu.dma_semaphore, #tpu.memory_space<semaphore_mem>>)
      %dma_wait3A = tpu.memref_slice %arg16[%select_n3A_40, %run_scoped3A, %mul3A_123] : memref<4x4x16384xi32, #tpu.memory_space<vmem_shared>> -> memref<1x1x4096xi32, #tpu.memory_space<vmem_shared>>
      %dma_wait3A_162 = tpu.memref_squeeze %dma_wait3A : memref<1x1x4096xi32, #tpu.memory_space<vmem_shared>> -> memref<4096xi32, #tpu.memory_space<vmem_shared>>
      %dma_wait3A_163 = tpu.memref_slice %arg16[%select_n3A_40, %run_scoped3A, %mul3A_123] : memref<4x4x16384xi32, #tpu.memory_space<vmem_shared>> -> memref<1x1x4096xi32, #tpu.memory_space<vmem_shared>>
      %dma_wait3A_164 = tpu.memref_squeeze %dma_wait3A_163 : memref<1x1x4096xi32, #tpu.memory_space<vmem_shared>> -> memref<4096xi32, #tpu.memory_space<vmem_shared>>
      tpu.wait_dma2 semaphore(%run_scoped3A_158 : memref<!tpu.dma_semaphore, #tpu.memory_space<semaphore_mem>>) src(%dma_wait3A_164 : memref<4096xi32, #tpu.memory_space<vmem_shared>>) dst(%arg13 : memref<4096xi32, #tpu.memory_space<vmem>>)
      tpu.yield
    }) : () -> ()
    %run_scoped3A_124 = arith.constant 1 : i32
    "tpu.region"() ({
      %run_scoped3A_158 = tpu.sem_alloc : memref<!tpu.dma_semaphore, #tpu.memory_space<semaphore_mem>>
      %dma_start3A = tpu.memref_slice %arg16[%select_n3A_40, %run_scoped3A_124, %mul3A_123] : memref<4x4x16384xi32, #tpu.memory_space<vmem_shared>> -> memref<1x1x4096xi32, #tpu.memory_space<vmem_shared>>
      %dma_start3A_159 = tpu.memref_squeeze %dma_start3A : memref<1x1x4096xi32, #tpu.memory_space<vmem_shared>> -> memref<4096xi32, #tpu.memory_space<vmem_shared>>
      %dma_start3A_160 = tpu.memref_slice %arg16[%select_n3A_40, %run_scoped3A_124, %mul3A_123] : memref<4x4x16384xi32, #tpu.memory_space<vmem_shared>> -> memref<1x1x4096xi32, #tpu.memory_space<vmem_shared>>
      %dma_start3A_161 = tpu.memref_squeeze %dma_start3A_160 : memref<1x1x4096xi32, #tpu.memory_space<vmem_shared>> -> memref<4096xi32, #tpu.memory_space<vmem_shared>>
      tpu.enqueue_dma source(%dma_start3A_161 : memref<4096xi32, #tpu.memory_space<vmem_shared>>) target(%arg14 : memref<4096xi32, #tpu.memory_space<vmem>>) target_semaphore(%run_scoped3A_158 : memref<!tpu.dma_semaphore, #tpu.memory_space<semaphore_mem>>)
      %dma_wait3A = tpu.memref_slice %arg16[%select_n3A_40, %run_scoped3A_124, %mul3A_123] : memref<4x4x16384xi32, #tpu.memory_space<vmem_shared>> -> memref<1x1x4096xi32, #tpu.memory_space<vmem_shared>>
      %dma_wait3A_162 = tpu.memref_squeeze %dma_wait3A : memref<1x1x4096xi32, #tpu.memory_space<vmem_shared>> -> memref<4096xi32, #tpu.memory_space<vmem_shared>>
      %dma_wait3A_163 = tpu.memref_slice %arg16[%select_n3A_40, %run_scoped3A_124, %mul3A_123] : memref<4x4x16384xi32, #tpu.memory_space<vmem_shared>> -> memref<1x1x4096xi32, #tpu.memory_space<vmem_shared>>
      %dma_wait3A_164 = tpu.memref_squeeze %dma_wait3A_163 : memref<1x1x4096xi32, #tpu.memory_space<vmem_shared>> -> memref<4096xi32, #tpu.memory_space<vmem_shared>>
      tpu.wait_dma2 semaphore(%run_scoped3A_158 : memref<!tpu.dma_semaphore, #tpu.memory_space<semaphore_mem>>) src(%dma_wait3A_164 : memref<4096xi32, #tpu.memory_space<vmem_shared>>) dst(%arg14 : memref<4096xi32, #tpu.memory_space<vmem>>)
      tpu.yield
    }) : () -> ()
    %scan3A_125 = arith.constant 0 : i32
    %scan3A_126 = arith.constant 0 : i32
    %scan3A_127 = arith.constant 256 : i32
    %scan3A_128 = arith.addi %scan3A_126, %scan3A_127 : i32
    %scan3A_129 = arith.constant 4 : i32
    %scan3A_130 = scf.for %scan3A_158 = %scan3A_126 to %scan3A_128 step %scan3A_129 iter_args(%scan3A_159 = %scan3A_125) -> (i32)  : i32 {
      %mul3A_160 = arith.constant 16 : i32
      %mul3A_161 = arith.muli %scan3A_158, %mul3A_160 : i32
      %get3A = arith.index_cast %mul3A_161 : i32 to index
      %get3A_162 = tpu.vector_load %arg13[%get3A] {strides = array<i32>} : memref<4096xi32, #tpu.memory_space<vmem>>, vector<16xi32>,
      %mul3A_163 = arith.constant 16 : i32
      %mul3A_164 = arith.muli %scan3A_158, %mul3A_163 : i32
      %get3A_165 = arith.index_cast %mul3A_164 : i32 to index
      %get3A_166 = tpu.vector_load %arg14[%get3A_165] {strides = array<i32>} : memref<4096xi32, #tpu.memory_space<vmem>>, vector<16xi32>,
      %max3A = arith.maxsi %get3A_162, %get3A_166 : vector<16xi32>
      %mul3A_167 = arith.constant 16 : i32
      %mul3A_168 = arith.muli %scan3A_158, %mul3A_167 : i32
      %swap3A = arith.index_cast %mul3A_168 : i32 to index
      %swap3A_169 = tpu.vector_load %arg13[%swap3A] {strides = array<i32>} : memref<4096xi32, #tpu.memory_space<vmem>>, vector<16xi32>,
      tpu.vector_store %arg13[%swap3A], %max3A {strides = array<i32>} : memref<4096xi32, #tpu.memory_space<vmem>>, vector<16xi32>,
      %scan3A_170 = arith.constant 0 : i32
      %scan3A_171 = arith.constant 1 : i32
      %scan3A_172 = arith.addi %scan3A_158, %scan3A_171 : i32
      %mul3A_173 = arith.constant 16 : i32
      %mul3A_174 = arith.muli %scan3A_172, %mul3A_173 : i32
      %get3A_175 = arith.index_cast %mul3A_174 : i32 to index
      %get3A_176 = tpu.vector_load %arg13[%get3A_175] {strides = array<i32>} : memref<4096xi32, #tpu.memory_space<vmem>>, vector<16xi32>,
      %mul3A_177 = arith.constant 16 : i32
      %mul3A_178 = arith.muli %scan3A_172, %mul3A_177 : i32
      %get3A_179 = arith.index_cast %mul3A_178 : i32 to index
      %get3A_180 = tpu.vector_load %arg14[%get3A_179] {strides = array<i32>} : memref<4096xi32, #tpu.memory_space<vmem>>, vector<16xi32>,
      %max3A_181 = arith.maxsi %get3A_176, %get3A_180 : vector<16xi32>
      %mul3A_182 = arith.constant 16 : i32
      %mul3A_183 = arith.muli %scan3A_172, %mul3A_182 : i32
      %swap3A_184 = arith.index_cast %mul3A_183 : i32 to index
      %swap3A_185 = tpu.vector_load %arg13[%swap3A_184] {strides = array<i32>} : memref<4096xi32, #tpu.memory_space<vmem>>, vector<16xi32>,
      tpu.vector_store %arg13[%swap3A_184], %max3A_181 {strides = array<i32>} : memref<4096xi32, #tpu.memory_space<vmem>>, vector<16xi32>,
      %scan3A_186 = arith.constant 0 : i32
      %scan3A_187 = arith.constant 2 : i32
      %scan3A_188 = arith.addi %scan3A_158, %scan3A_187 : i32
      %mul3A_189 = arith.constant 16 : i32
      %mul3A_190 = arith.muli %scan3A_188, %mul3A_189 : i32
      %get3A_191 = arith.index_cast %mul3A_190 : i32 to index
      %get3A_192 = tpu.vector_load %arg13[%get3A_191] {strides = array<i32>} : memref<4096xi32, #tpu.memory_space<vmem>>, vector<16xi32>,
      %mul3A_193 = arith.constant 16 : i32
      %mul3A_194 = arith.muli %scan3A_188, %mul3A_193 : i32
      %get3A_195 = arith.index_cast %mul3A_194 : i32 to index
      %get3A_196 = tpu.vector_load %arg14[%get3A_195] {strides = array<i32>} : memref<4096xi32, #tpu.memory_space<vmem>>, vector<16xi32>,
      %max3A_197 = arith.maxsi %get3A_192, %get3A_196 : vector<16xi32>
      %mul3A_198 = arith.constant 16 : i32
      %mul3A_199 = arith.muli %scan3A_188, %mul3A_198 : i32
      %swap3A_200 = arith.index_cast %mul3A_199 : i32 to index
      %swap3A_201 = tpu.vector_load %arg13[%swap3A_200] {strides = array<i32>} : memref<4096xi32, #tpu.memory_space<vmem>>, vector<16xi32>,
      tpu.vector_store %arg13[%swap3A_200], %max3A_197 {strides = array<i32>} : memref<4096xi32, #tpu.memory_space<vmem>>, vector<16xi32>,
      %scan3A_202 = arith.constant 0 : i32
      %scan3A_203 = arith.constant 3 : i32
      %scan3A_204 = arith.addi %scan3A_158, %scan3A_203 : i32
      %mul3A_205 = arith.constant 16 : i32
      %mul3A_206 = arith.muli %scan3A_204, %mul3A_205 : i32
      %get3A_207 = arith.index_cast %mul3A_206 : i32 to index
      %get3A_208 = tpu.vector_load %arg13[%get3A_207] {strides = array<i32>} : memref<4096xi32, #tpu.memory_space<vmem>>, vector<16xi32>,
      %mul3A_209 = arith.constant 16 : i32
      %mul3A_210 = arith.muli %scan3A_204, %mul3A_209 : i32
      %get3A_211 = arith.index_cast %mul3A_210 : i32 to index
      %get3A_212 = tpu.vector_load %arg14[%get3A_211] {strides = array<i32>} : memref<4096xi32, #tpu.memory_space<vmem>>, vector<16xi32>,
      %max3A_213 = arith.maxsi %get3A_208, %get3A_212 : vector<16xi32>
      %mul3A_214 = arith.constant 16 : i32
      %mul3A_215 = arith.muli %scan3A_204, %mul3A_214 : i32
      %swap3A_216 = arith.index_cast %mul3A_215 : i32 to index
      %swap3A_217 = tpu.vector_load %arg13[%swap3A_216] {strides = array<i32>} : memref<4096xi32, #tpu.memory_space<vmem>>, vector<16xi32>,
      tpu.vector_store %arg13[%swap3A_216], %max3A_213 {strides = array<i32>} : memref<4096xi32, #tpu.memory_space<vmem>>, vector<16xi32>,
      %scan3A_218 = arith.constant 0 : i32
      scf.yield %scan3A_218 : i32
    }
    %scan3A_131 = arith.constant 256 : i32
    %run_scoped3A_132 = arith.constant 2 : i32
    "tpu.region"() ({
      %run_scoped3A_158 = tpu.sem_alloc : memref<!tpu.dma_semaphore, #tpu.memory_space<semaphore_mem>>
      %dma_start3A = tpu.memref_slice %arg16[%select_n3A_40, %run_scoped3A_132, %mul3A_123] : memref<4x4x16384xi32, #tpu.memory_space<vmem_shared>> -> memref<1x1x4096xi32, #tpu.memory_space<vmem_shared>>
      %dma_start3A_159 = tpu.memref_squeeze %dma_start3A : memref<1x1x4096xi32, #tpu.memory_space<vmem_shared>> -> memref<4096xi32, #tpu.memory_space<vmem_shared>>
      %dma_start3A_160 = tpu.memref_slice %arg16[%select_n3A_40, %run_scoped3A_132, %mul3A_123] : memref<4x4x16384xi32, #tpu.memory_space<vmem_shared>> -> memref<1x1x4096xi32, #tpu.memory_space<vmem_shared>>
      %dma_start3A_161 = tpu.memref_squeeze %dma_start3A_160 : memref<1x1x4096xi32, #tpu.memory_space<vmem_shared>> -> memref<4096xi32, #tpu.memory_space<vmem_shared>>
      tpu.enqueue_dma source(%dma_start3A_161 : memref<4096xi32, #tpu.memory_space<vmem_shared>>) target(%arg14 : memref<4096xi32, #tpu.memory_space<vmem>>) target_semaphore(%run_scoped3A_158 : memref<!tpu.dma_semaphore, #tpu.memory_space<semaphore_mem>>)
      %dma_wait3A = tpu.memref_slice %arg16[%select_n3A_40, %run_scoped3A_132, %mul3A_123] : memref<4x4x16384xi32, #tpu.memory_space<vmem_shared>> -> memref<1x1x4096xi32, #tpu.memory_space<vmem_shared>>
      %dma_wait3A_162 = tpu.memref_squeeze %dma_wait3A : memref<1x1x4096xi32, #tpu.memory_space<vmem_shared>> -> memref<4096xi32, #tpu.memory_space<vmem_shared>>
      %dma_wait3A_163 = tpu.memref_slice %arg16[%select_n3A_40, %run_scoped3A_132, %mul3A_123] : memref<4x4x16384xi32, #tpu.memory_space<vmem_shared>> -> memref<1x1x4096xi32, #tpu.memory_space<vmem_shared>>
      %dma_wait3A_164 = tpu.memref_squeeze %dma_wait3A_163 : memref<1x1x4096xi32, #tpu.memory_space<vmem_shared>> -> memref<4096xi32, #tpu.memory_space<vmem_shared>>
      tpu.wait_dma2 semaphore(%run_scoped3A_158 : memref<!tpu.dma_semaphore, #tpu.memory_space<semaphore_mem>>) src(%dma_wait3A_164 : memref<4096xi32, #tpu.memory_space<vmem_shared>>) dst(%arg14 : memref<4096xi32, #tpu.memory_space<vmem>>)
      tpu.yield
    }) : () -> ()
    %scan3A_133 = arith.constant 0 : i32
    %scan3A_134 = arith.constant 0 : i32
    %scan3A_135 = arith.constant 256 : i32
    %scan3A_136 = arith.addi %scan3A_134, %scan3A_135 : i32
    %scan3A_137 = arith.constant 4 : i32
    %scan3A_138 = scf.for %scan3A_158 = %scan3A_134 to %scan3A_136 step %scan3A_137 iter_args(%scan3A_159 = %scan3A_133) -> (i32)  : i32 {
      %mul3A_160 = arith.constant 16 : i32
      %mul3A_161 = arith.muli %scan3A_158, %mul3A_160 : i32
      %get3A = arith.index_cast %mul3A_161 : i32 to index
      %get3A_162 = tpu.vector_load %arg13[%get3A] {strides = array<i32>} : memref<4096xi32, #tpu.memory_space<vmem>>, vector<16xi32>,
      %mul3A_163 = arith.constant 16 : i32
      %mul3A_164 = arith.muli %scan3A_158, %mul3A_163 : i32
      %get3A_165 = arith.index_cast %mul3A_164 : i32 to index
      %get3A_166 = tpu.vector_load %arg14[%get3A_165] {strides = array<i32>} : memref<4096xi32, #tpu.memory_space<vmem>>, vector<16xi32>,
      %max3A = arith.maxsi %get3A_162, %get3A_166 : vector<16xi32>
      %mul3A_167 = arith.constant 16 : i32
      %mul3A_168 = arith.muli %scan3A_158, %mul3A_167 : i32
      %swap3A = arith.index_cast %mul3A_168 : i32 to index
      %swap3A_169 = tpu.vector_load %arg13[%swap3A] {strides = array<i32>} : memref<4096xi32, #tpu.memory_space<vmem>>, vector<16xi32>,
      tpu.vector_store %arg13[%swap3A], %max3A {strides = array<i32>} : memref<4096xi32, #tpu.memory_space<vmem>>, vector<16xi32>,
      %scan3A_170 = arith.constant 0 : i32
      %scan3A_171 = arith.constant 1 : i32
      %scan3A_172 = arith.addi %scan3A_158, %scan3A_171 : i32
      %mul3A_173 = arith.constant 16 : i32
      %mul3A_174 = arith.muli %scan3A_172, %mul3A_173 : i32
      %get3A_175 = arith.index_cast %mul3A_174 : i32 to index
      %get3A_176 = tpu.vector_load %arg13[%get3A_175] {strides = array<i32>} : memref<4096xi32, #tpu.memory_space<vmem>>, vector<16xi32>,
      %mul3A_177 = arith.constant 16 : i32
      %mul3A_178 = arith.muli %scan3A_172, %mul3A_177 : i32
      %get3A_179 = arith.index_cast %mul3A_178 : i32 to index
      %get3A_180 = tpu.vector_load %arg14[%get3A_179] {strides = array<i32>} : memref<4096xi32, #tpu.memory_space<vmem>>, vector<16xi32>,
      %max3A_181 = arith.maxsi %get3A_176, %get3A_180 : vector<16xi32>
      %mul3A_182 = arith.constant 16 : i32
      %mul3A_183 = arith.muli %scan3A_172, %mul3A_182 : i32
      %swap3A_184 = arith.index_cast %mul3A_183 : i32 to index
      %swap3A_185 = tpu.vector_load %arg13[%swap3A_184] {strides = array<i32>} : memref<4096xi32, #tpu.memory_space<vmem>>, vector<16xi32>,
      tpu.vector_store %arg13[%swap3A_184], %max3A_181 {strides = array<i32>} : memref<4096xi32, #tpu.memory_space<vmem>>, vector<16xi32>,
      %scan3A_186 = arith.constant 0 : i32
      %scan3A_187 = arith.constant 2 : i32
      %scan3A_188 = arith.addi %scan3A_158, %scan3A_187 : i32
      %mul3A_189 = arith.constant 16 : i32
      %mul3A_190 = arith.muli %scan3A_188, %mul3A_189 : i32
      %get3A_191 = arith.index_cast %mul3A_190 : i32 to index
      %get3A_192 = tpu.vector_load %arg13[%get3A_191] {strides = array<i32>} : memref<4096xi32, #tpu.memory_space<vmem>>, vector<16xi32>,
      %mul3A_193 = arith.constant 16 : i32
      %mul3A_194 = arith.muli %scan3A_188, %mul3A_193 : i32
      %get3A_195 = arith.index_cast %mul3A_194 : i32 to index
      %get3A_196 = tpu.vector_load %arg14[%get3A_195] {strides = array<i32>} : memref<4096xi32, #tpu.memory_space<vmem>>, vector<16xi32>,
      %max3A_197 = arith.maxsi %get3A_192, %get3A_196 : vector<16xi32>
      %mul3A_198 = arith.constant 16 : i32
      %mul3A_199 = arith.muli %scan3A_188, %mul3A_198 : i32
      %swap3A_200 = arith.index_cast %mul3A_199 : i32 to index
      %swap3A_201 = tpu.vector_load %arg13[%swap3A_200] {strides = array<i32>} : memref<4096xi32, #tpu.memory_space<vmem>>, vector<16xi32>,
      tpu.vector_store %arg13[%swap3A_200], %max3A_197 {strides = array<i32>} : memref<4096xi32, #tpu.memory_space<vmem>>, vector<16xi32>,
      %scan3A_202 = arith.constant 0 : i32
      %scan3A_203 = arith.constant 3 : i32
      %scan3A_204 = arith.addi %scan3A_158, %scan3A_203 : i32
      %mul3A_205 = arith.constant 16 : i32
      %mul3A_206 = arith.muli %scan3A_204, %mul3A_205 : i32
      %get3A_207 = arith.index_cast %mul3A_206 : i32 to index
      %get3A_208 = tpu.vector_load %arg13[%get3A_207] {strides = array<i32>} : memref<4096xi32, #tpu.memory_space<vmem>>, vector<16xi32>,
      %mul3A_209 = arith.constant 16 : i32
      %mul3A_210 = arith.muli %scan3A_204, %mul3A_209 : i32
      %get3A_211 = arith.index_cast %mul3A_210 : i32 to index
      %get3A_212 = tpu.vector_load %arg14[%get3A_211] {strides = array<i32>} : memref<4096xi32, #tpu.memory_space<vmem>>, vector<16xi32>,
      %max3A_213 = arith.maxsi %get3A_208, %get3A_212 : vector<16xi32>
      %mul3A_214 = arith.constant 16 : i32
      %mul3A_215 = arith.muli %scan3A_204, %mul3A_214 : i32
      %swap3A_216 = arith.index_cast %mul3A_215 : i32 to index
      %swap3A_217 = tpu.vector_load %arg13[%swap3A_216] {strides = array<i32>} : memref<4096xi32, #tpu.memory_space<vmem>>, vector<16xi32>,
      tpu.vector_store %arg13[%swap3A_216], %max3A_213 {strides = array<i32>} : memref<4096xi32, #tpu.memory_space<vmem>>, vector<16xi32>,
      %scan3A_218 = arith.constant 0 : i32
      scf.yield %scan3A_218 : i32
    }
    %scan3A_139 = arith.constant 256 : i32
    %run_scoped3A_140 = arith.constant 3 : i32
    "tpu.region"() ({
      %run_scoped3A_158 = tpu.sem_alloc : memref<!tpu.dma_semaphore, #tpu.memory_space<semaphore_mem>>
      %dma_start3A = tpu.memref_slice %arg16[%select_n3A_40, %run_scoped3A_140, %mul3A_123] : memref<4x4x16384xi32, #tpu.memory_space<vmem_shared>> -> memref<1x1x4096xi32, #tpu.memory_space<vmem_shared>>
      %dma_start3A_159 = tpu.memref_squeeze %dma_start3A : memref<1x1x4096xi32, #tpu.memory_space<vmem_shared>> -> memref<4096xi32, #tpu.memory_space<vmem_shared>>
      %dma_start3A_160 = tpu.memref_slice %arg16[%select_n3A_40, %run_scoped3A_140, %mul3A_123] : memref<4x4x16384xi32, #tpu.memory_space<vmem_shared>> -> memref<1x1x4096xi32, #tpu.memory_space<vmem_shared>>
      %dma_start3A_161 = tpu.memref_squeeze %dma_start3A_160 : memref<1x1x4096xi32, #tpu.memory_space<vmem_shared>> -> memref<4096xi32, #tpu.memory_space<vmem_shared>>
      tpu.enqueue_dma source(%dma_start3A_161 : memref<4096xi32, #tpu.memory_space<vmem_shared>>) target(%arg14 : memref<4096xi32, #tpu.memory_space<vmem>>) target_semaphore(%run_scoped3A_158 : memref<!tpu.dma_semaphore, #tpu.memory_space<semaphore_mem>>)
      %dma_wait3A = tpu.memref_slice %arg16[%select_n3A_40, %run_scoped3A_140, %mul3A_123] : memref<4x4x16384xi32, #tpu.memory_space<vmem_shared>> -> memref<1x1x4096xi32, #tpu.memory_space<vmem_shared>>
      %dma_wait3A_162 = tpu.memref_squeeze %dma_wait3A : memref<1x1x4096xi32, #tpu.memory_space<vmem_shared>> -> memref<4096xi32, #tpu.memory_space<vmem_shared>>
      %dma_wait3A_163 = tpu.memref_slice %arg16[%select_n3A_40, %run_scoped3A_140, %mul3A_123] : memref<4x4x16384xi32, #tpu.memory_space<vmem_shared>> -> memref<1x1x4096xi32, #tpu.memory_space<vmem_shared>>
      %dma_wait3A_164 = tpu.memref_squeeze %dma_wait3A_163 : memref<1x1x4096xi32, #tpu.memory_space<vmem_shared>> -> memref<4096xi32, #tpu.memory_space<vmem_shared>>
      tpu.wait_dma2 semaphore(%run_scoped3A_158 : memref<!tpu.dma_semaphore, #tpu.memory_space<semaphore_mem>>) src(%dma_wait3A_164 : memref<4096xi32, #tpu.memory_space<vmem_shared>>) dst(%arg14 : memref<4096xi32, #tpu.memory_space<vmem>>)
      tpu.yield
    }) : () -> ()
    %scan3A_141 = arith.constant 0 : i32
    %scan3A_142 = arith.constant 0 : i32
    %scan3A_143 = arith.constant 256 : i32
    %scan3A_144 = arith.addi %scan3A_142, %scan3A_143 : i32
    %scan3A_145 = arith.constant 4 : i32
    %scan3A_146 = scf.for %scan3A_158 = %scan3A_142 to %scan3A_144 step %scan3A_145 iter_args(%scan3A_159 = %scan3A_141) -> (i32)  : i32 {
      %mul3A_160 = arith.constant 16 : i32
      %mul3A_161 = arith.muli %scan3A_158, %mul3A_160 : i32
      %get3A = arith.index_cast %mul3A_161 : i32 to index
      %get3A_162 = tpu.vector_load %arg13[%get3A] {strides = array<i32>} : memref<4096xi32, #tpu.memory_space<vmem>>, vector<16xi32>,
      %mul3A_163 = arith.constant 16 : i32
      %mul3A_164 = arith.muli %scan3A_158, %mul3A_163 : i32
      %get3A_165 = arith.index_cast %mul3A_164 : i32 to index
      %get3A_166 = tpu.vector_load %arg14[%get3A_165] {strides = array<i32>} : memref<4096xi32, #tpu.memory_space<vmem>>, vector<16xi32>,
      %max3A = arith.maxsi %get3A_162, %get3A_166 : vector<16xi32>
      %mul3A_167 = arith.constant 16 : i32
      %mul3A_168 = arith.muli %scan3A_158, %mul3A_167 : i32
      %swap3A = arith.index_cast %mul3A_168 : i32 to index
      %swap3A_169 = tpu.vector_load %arg13[%swap3A] {strides = array<i32>} : memref<4096xi32, #tpu.memory_space<vmem>>, vector<16xi32>,
      tpu.vector_store %arg13[%swap3A], %max3A {strides = array<i32>} : memref<4096xi32, #tpu.memory_space<vmem>>, vector<16xi32>,
      %scan3A_170 = arith.constant 0 : i32
      %scan3A_171 = arith.constant 1 : i32
      %scan3A_172 = arith.addi %scan3A_158, %scan3A_171 : i32
      %mul3A_173 = arith.constant 16 : i32
      %mul3A_174 = arith.muli %scan3A_172, %mul3A_173 : i32
      %get3A_175 = arith.index_cast %mul3A_174 : i32 to index
      %get3A_176 = tpu.vector_load %arg13[%get3A_175] {strides = array<i32>} : memref<4096xi32, #tpu.memory_space<vmem>>, vector<16xi32>,
      %mul3A_177 = arith.constant 16 : i32
      %mul3A_178 = arith.muli %scan3A_172, %mul3A_177 : i32
      %get3A_179 = arith.index_cast %mul3A_178 : i32 to index
      %get3A_180 = tpu.vector_load %arg14[%get3A_179] {strides = array<i32>} : memref<4096xi32, #tpu.memory_space<vmem>>, vector<16xi32>,
      %max3A_181 = arith.maxsi %get3A_176, %get3A_180 : vector<16xi32>
      %mul3A_182 = arith.constant 16 : i32
      %mul3A_183 = arith.muli %scan3A_172, %mul3A_182 : i32
      %swap3A_184 = arith.index_cast %mul3A_183 : i32 to index
      %swap3A_185 = tpu.vector_load %arg13[%swap3A_184] {strides = array<i32>} : memref<4096xi32, #tpu.memory_space<vmem>>, vector<16xi32>,
      tpu.vector_store %arg13[%swap3A_184], %max3A_181 {strides = array<i32>} : memref<4096xi32, #tpu.memory_space<vmem>>, vector<16xi32>,
      %scan3A_186 = arith.constant 0 : i32
      %scan3A_187 = arith.constant 2 : i32
      %scan3A_188 = arith.addi %scan3A_158, %scan3A_187 : i32
      %mul3A_189 = arith.constant 16 : i32
      %mul3A_190 = arith.muli %scan3A_188, %mul3A_189 : i32
      %get3A_191 = arith.index_cast %mul3A_190 : i32 to index
      %get3A_192 = tpu.vector_load %arg13[%get3A_191] {strides = array<i32>} : memref<4096xi32, #tpu.memory_space<vmem>>, vector<16xi32>,
      %mul3A_193 = arith.constant 16 : i32
      %mul3A_194 = arith.muli %scan3A_188, %mul3A_193 : i32
      %get3A_195 = arith.index_cast %mul3A_194 : i32 to index
      %get3A_196 = tpu.vector_load %arg14[%get3A_195] {strides = array<i32>} : memref<4096xi32, #tpu.memory_space<vmem>>, vector<16xi32>,
      %max3A_197 = arith.maxsi %get3A_192, %get3A_196 : vector<16xi32>
      %mul3A_198 = arith.constant 16 : i32
      %mul3A_199 = arith.muli %scan3A_188, %mul3A_198 : i32
      %swap3A_200 = arith.index_cast %mul3A_199 : i32 to index
      %swap3A_201 = tpu.vector_load %arg13[%swap3A_200] {strides = array<i32>} : memref<4096xi32, #tpu.memory_space<vmem>>, vector<16xi32>,
      tpu.vector_store %arg13[%swap3A_200], %max3A_197 {strides = array<i32>} : memref<4096xi32, #tpu.memory_space<vmem>>, vector<16xi32>,
      %scan3A_202 = arith.constant 0 : i32
      %scan3A_203 = arith.constant 3 : i32
      %scan3A_204 = arith.addi %scan3A_158, %scan3A_203 : i32
      %mul3A_205 = arith.constant 16 : i32
      %mul3A_206 = arith.muli %scan3A_204, %mul3A_205 : i32
      %get3A_207 = arith.index_cast %mul3A_206 : i32 to index
      %get3A_208 = tpu.vector_load %arg13[%get3A_207] {strides = array<i32>} : memref<4096xi32, #tpu.memory_space<vmem>>, vector<16xi32>,
      %mul3A_209 = arith.constant 16 : i32
      %mul3A_210 = arith.muli %scan3A_204, %mul3A_209 : i32
      %get3A_211 = arith.index_cast %mul3A_210 : i32 to index
      %get3A_212 = tpu.vector_load %arg14[%get3A_211] {strides = array<i32>} : memref<4096xi32, #tpu.memory_space<vmem>>, vector<16xi32>,
      %max3A_213 = arith.maxsi %get3A_208, %get3A_212 : vector<16xi32>
      %mul3A_214 = arith.constant 16 : i32
      %mul3A_215 = arith.muli %scan3A_204, %mul3A_214 : i32
      %swap3A_216 = arith.index_cast %mul3A_215 : i32 to index
      %swap3A_217 = tpu.vector_load %arg13[%swap3A_216] {strides = array<i32>} : memref<4096xi32, #tpu.memory_space<vmem>>, vector<16xi32>,
      tpu.vector_store %arg13[%swap3A_216], %max3A_213 {strides = array<i32>} : memref<4096xi32, #tpu.memory_space<vmem>>, vector<16xi32>,
      %scan3A_218 = arith.constant 0 : i32
      scf.yield %scan3A_218 : i32
    }
    %scan3A_147 = arith.constant 256 : i32
    %mul3A_148 = arith.constant 16384 : i32
    %mul3A_149 = arith.muli %add3A, %mul3A_148 : i32
    %add3A_150 = arith.addi %mul3A_149, %mul3A_123 : i32
    "tpu.region"() ({
      %run_scoped3A_158 = tpu.sem_alloc : memref<!tpu.dma_semaphore, #tpu.memory_space<semaphore_mem>>
      %dma_start3A = tpu.memref_slice %arg5[%add3A_150] : memref<131072xi32, #tpu.memory_space<hbm>> -> memref<4096xi32, #tpu.memory_space<hbm>>
      %dma_start3A_159 = tpu.memref_slice %arg5[%add3A_150] : memref<131072xi32, #tpu.memory_space<hbm>> -> memref<4096xi32, #tpu.memory_space<hbm>>
      tpu.enqueue_dma source(%arg13 : memref<4096xi32, #tpu.memory_space<vmem>>) target(%dma_start3A_159 : memref<4096xi32, #tpu.memory_space<hbm>>) target_semaphore(%run_scoped3A_158 : memref<!tpu.dma_semaphore, #tpu.memory_space<semaphore_mem>>)
      %dma_wait3A = tpu.memref_slice %arg5[%add3A_150] : memref<131072xi32, #tpu.memory_space<hbm>> -> memref<4096xi32, #tpu.memory_space<hbm>>
      %dma_wait3A_160 = tpu.memref_slice %arg5[%add3A_150] : memref<131072xi32, #tpu.memory_space<hbm>> -> memref<4096xi32, #tpu.memory_space<hbm>>
      tpu.wait_dma2 semaphore(%run_scoped3A_158 : memref<!tpu.dma_semaphore, #tpu.memory_space<semaphore_mem>>) src(%arg13 : memref<4096xi32, #tpu.memory_space<vmem>>) dst(%dma_wait3A_160 : memref<4096xi32, #tpu.memory_space<hbm>>)
      tpu.yield
    }) : () -> ()
    %scan3A_151 = arith.constant 0 : i32
    %scan3A_152 = arith.constant 0 : i32
    %scan3A_153 = arith.constant 256 : i32
    %scan3A_154 = arith.addi %scan3A_152, %scan3A_153 : i32
    %scan3A_155 = arith.constant 4 : i32
    %scan3A_156 = scf.for %scan3A_158 = %scan3A_152 to %scan3A_154 step %scan3A_155 iter_args(%scan3A_159 = %scan3A_151) -> (i32)  : i32 {
      %mul3A_160 = arith.constant 16 : i32
      %mul3A_161 = arith.muli %scan3A_158, %mul3A_160 : i32
      %get3A = arith.index_cast %mul3A_161 : i32 to index
      %get3A_162 = tpu.vector_load %arg13[%get3A] {strides = array<i32>} : memref<4096xi32, #tpu.memory_space<vmem>>, vector<16xi32>,
      %ge3A = arith.constant 0 : i32
      %ge3A_163 = vector.broadcast %ge3A : i32 to vector<16xi32>
      %ge3A_164 = arith.cmpi sge, %get3A_162, %ge3A_163 : vector<16xi32>
      %ge3A_165 = arith.constant 32768 : i32
      %ge3A_166 = vector.broadcast %ge3A_165 : i32 to vector<16xi32>
      %ge3A_167 = arith.cmpi sge, %get3A_162, %ge3A_166 : vector<16xi32>
      %sub3A_168 = arith.constant 32768 : i32
      %sub3A_169 = vector.broadcast %sub3A_168 : i32 to vector<16xi32>
      %sub3A_170 = arith.subi %get3A_162, %sub3A_169 : vector<16xi32>
      %select_n3A_171 = arith.select %ge3A_167, %sub3A_170, %get3A_162 : vector<16xi1>, vector<16xi32>
      %mul3A_172 = arith.constant 16 : i32
      %mul3A_173 = arith.muli %scan3A_158, %mul3A_172 : i32
      %add3A_174 = arith.addi %mul3A_123, %mul3A_173 : i32
      %add3A_175 = vector.broadcast %add3A_174 : i32 to vector<16xi32>
      %add3A_176 = arith.addi %add3A_175, %iota3A : vector<16xi32>
      %select_n3A_177 = arith.select %ge3A_164, %select_n3A_171, %add3A_176 : vector<16xi1>, vector<16xi32>
      %mul3A_178 = arith.constant 32768 : i32
      %mul3A_179 = arith.muli %add3A, %mul3A_178 : i32
      %add3A_180 = vector.broadcast %mul3A_179 : i32 to vector<16xi32>
      %add3A_181 = arith.addi %select_n3A_177, %add3A_180 : vector<16xi32>
      %mul3A_182 = arith.constant 16 : i32
      %mul3A_183 = arith.muli %scan3A_158, %mul3A_182 : i32
      %swap3A = arith.index_cast %mul3A_183 : i32 to index
      %swap3A_184 = tpu.vector_load %arg15[%swap3A] {strides = array<i32>} : memref<4096xi32, #tpu.memory_space<vmem>>, vector<16xi32>,
      tpu.vector_store %arg15[%swap3A], %add3A_181 {strides = array<i32>} : memref<4096xi32, #tpu.memory_space<vmem>>, vector<16xi32>,
      %scan3A_185 = arith.constant 0 : i32
      %scan3A_186 = arith.constant 1 : i32
      %scan3A_187 = arith.addi %scan3A_158, %scan3A_186 : i32
      %mul3A_188 = arith.constant 16 : i32
      %mul3A_189 = arith.muli %scan3A_187, %mul3A_188 : i32
      %get3A_190 = arith.index_cast %mul3A_189 : i32 to index
      %get3A_191 = tpu.vector_load %arg13[%get3A_190] {strides = array<i32>} : memref<4096xi32, #tpu.memory_space<vmem>>, vector<16xi32>,
      %ge3A_192 = arith.constant 0 : i32
      %ge3A_193 = vector.broadcast %ge3A_192 : i32 to vector<16xi32>
      %ge3A_194 = arith.cmpi sge, %get3A_191, %ge3A_193 : vector<16xi32>
      %ge3A_195 = arith.constant 32768 : i32
      %ge3A_196 = vector.broadcast %ge3A_195 : i32 to vector<16xi32>
      %ge3A_197 = arith.cmpi sge, %get3A_191, %ge3A_196 : vector<16xi32>
      %sub3A_198 = arith.constant 32768 : i32
      %sub3A_199 = vector.broadcast %sub3A_198 : i32 to vector<16xi32>
      %sub3A_200 = arith.subi %get3A_191, %sub3A_199 : vector<16xi32>
      %select_n3A_201 = arith.select %ge3A_197, %sub3A_200, %get3A_191 : vector<16xi1>, vector<16xi32>
      %mul3A_202 = arith.constant 16 : i32
      %mul3A_203 = arith.muli %scan3A_187, %mul3A_202 : i32
      %add3A_204 = arith.addi %mul3A_123, %mul3A_203 : i32
      %add3A_205 = vector.broadcast %add3A_204 : i32 to vector<16xi32>
      %add3A_206 = arith.addi %add3A_205, %iota3A : vector<16xi32>
      %select_n3A_207 = arith.select %ge3A_194, %select_n3A_201, %add3A_206 : vector<16xi1>, vector<16xi32>
      %mul3A_208 = arith.constant 32768 : i32
      %mul3A_209 = arith.muli %add3A, %mul3A_208 : i32
      %add3A_210 = vector.broadcast %mul3A_209 : i32 to vector<16xi32>
      %add3A_211 = arith.addi %select_n3A_207, %add3A_210 : vector<16xi32>
      %mul3A_212 = arith.constant 16 : i32
      %mul3A_213 = arith.muli %scan3A_187, %mul3A_212 : i32
      %swap3A_214 = arith.index_cast %mul3A_213 : i32 to index
      %swap3A_215 = tpu.vector_load %arg15[%swap3A_214] {strides = array<i32>} : memref<4096xi32, #tpu.memory_space<vmem>>, vector<16xi32>,
      tpu.vector_store %arg15[%swap3A_214], %add3A_211 {strides = array<i32>} : memref<4096xi32, #tpu.memory_space<vmem>>, vector<16xi32>,
      %scan3A_216 = arith.constant 0 : i32
      %scan3A_217 = arith.constant 2 : i32
      %scan3A_218 = arith.addi %scan3A_158, %scan3A_217 : i32
      %mul3A_219 = arith.constant 16 : i32
      %mul3A_220 = arith.muli %scan3A_218, %mul3A_219 : i32
      %get3A_221 = arith.index_cast %mul3A_220 : i32 to index
      %get3A_222 = tpu.vector_load %arg13[%get3A_221] {strides = array<i32>} : memref<4096xi32, #tpu.memory_space<vmem>>, vector<16xi32>,
      %ge3A_223 = arith.constant 0 : i32
      %ge3A_224 = vector.broadcast %ge3A_223 : i32 to vector<16xi32>
      %ge3A_225 = arith.cmpi sge, %get3A_222, %ge3A_224 : vector<16xi32>
      %ge3A_226 = arith.constant 32768 : i32
      %ge3A_227 = vector.broadcast %ge3A_226 : i32 to vector<16xi32>
      %ge3A_228 = arith.cmpi sge, %get3A_222, %ge3A_227 : vector<16xi32>
      %sub3A_229 = arith.constant 32768 : i32
      %sub3A_230 = vector.broadcast %sub3A_229 : i32 to vector<16xi32>
      %sub3A_231 = arith.subi %get3A_222, %sub3A_230 : vector<16xi32>
      %select_n3A_232 = arith.select %ge3A_228, %sub3A_231, %get3A_222 : vector<16xi1>, vector<16xi32>
      %mul3A_233 = arith.constant 16 : i32
      %mul3A_234 = arith.muli %scan3A_218, %mul3A_233 : i32
      %add3A_235 = arith.addi %mul3A_123, %mul3A_234 : i32
      %add3A_236 = vector.broadcast %add3A_235 : i32 to vector<16xi32>
      %add3A_237 = arith.addi %add3A_236, %iota3A : vector<16xi32>
      %select_n3A_238 = arith.select %ge3A_225, %select_n3A_232, %add3A_237 : vector<16xi1>, vector<16xi32>
      %mul3A_239 = arith.constant 32768 : i32
      %mul3A_240 = arith.muli %add3A, %mul3A_239 : i32
      %add3A_241 = vector.broadcast %mul3A_240 : i32 to vector<16xi32>
      %add3A_242 = arith.addi %select_n3A_238, %add3A_241 : vector<16xi32>
      %mul3A_243 = arith.constant 16 : i32
      %mul3A_244 = arith.muli %scan3A_218, %mul3A_243 : i32
      %swap3A_245 = arith.index_cast %mul3A_244 : i32 to index
      %swap3A_246 = tpu.vector_load %arg15[%swap3A_245] {strides = array<i32>} : memref<4096xi32, #tpu.memory_space<vmem>>, vector<16xi32>,
      tpu.vector_store %arg15[%swap3A_245], %add3A_242 {strides = array<i32>} : memref<4096xi32, #tpu.memory_space<vmem>>, vector<16xi32>,
      %scan3A_247 = arith.constant 0 : i32
      %scan3A_248 = arith.constant 3 : i32
      %scan3A_249 = arith.addi %scan3A_158, %scan3A_248 : i32
      %mul3A_250 = arith.constant 16 : i32
      %mul3A_251 = arith.muli %scan3A_249, %mul3A_250 : i32
      %get3A_252 = arith.index_cast %mul3A_251 : i32 to index
      %get3A_253 = tpu.vector_load %arg13[%get3A_252] {strides = array<i32>} : memref<4096xi32, #tpu.memory_space<vmem>>, vector<16xi32>,
      %ge3A_254 = arith.constant 0 : i32
      %ge3A_255 = vector.broadcast %ge3A_254 : i32 to vector<16xi32>
      %ge3A_256 = arith.cmpi sge, %get3A_253, %ge3A_255 : vector<16xi32>
      %ge3A_257 = arith.constant 32768 : i32
      %ge3A_258 = vector.broadcast %ge3A_257 : i32 to vector<16xi32>
      %ge3A_259 = arith.cmpi sge, %get3A_253, %ge3A_258 : vector<16xi32>
      %sub3A_260 = arith.constant 32768 : i32
      %sub3A_261 = vector.broadcast %sub3A_260 : i32 to vector<16xi32>
      %sub3A_262 = arith.subi %get3A_253, %sub3A_261 : vector<16xi32>
      %select_n3A_263 = arith.select %ge3A_259, %sub3A_262, %get3A_253 : vector<16xi1>, vector<16xi32>
      %mul3A_264 = arith.constant 16 : i32
      %mul3A_265 = arith.muli %scan3A_249, %mul3A_264 : i32
      %add3A_266 = arith.addi %mul3A_123, %mul3A_265 : i32
      %add3A_267 = vector.broadcast %add3A_266 : i32 to vector<16xi32>
      %add3A_268 = arith.addi %add3A_267, %iota3A : vector<16xi32>
      %select_n3A_269 = arith.select %ge3A_256, %select_n3A_263, %add3A_268 : vector<16xi1>, vector<16xi32>
      %mul3A_270 = arith.constant 32768 : i32
      %mul3A_271 = arith.muli %add3A, %mul3A_270 : i32
      %add3A_272 = vector.broadcast %mul3A_271 : i32 to vector<16xi32>
      %add3A_273 = arith.addi %select_n3A_269, %add3A_272 : vector<16xi32>
      %mul3A_274 = arith.constant 16 : i32
      %mul3A_275 = arith.muli %scan3A_249, %mul3A_274 : i32
      %swap3A_276 = arith.index_cast %mul3A_275 : i32 to index
      %swap3A_277 = tpu.vector_load %arg15[%swap3A_276] {strides = array<i32>} : memref<4096xi32, #tpu.memory_space<vmem>>, vector<16xi32>,
      tpu.vector_store %arg15[%swap3A_276], %add3A_273 {strides = array<i32>} : memref<4096xi32, #tpu.memory_space<vmem>>, vector<16xi32>,
      %scan3A_278 = arith.constant 0 : i32
      scf.yield %scan3A_278 : i32
    }
    %scan3A_157 = arith.constant 256 : i32
    "tpu.region"() ({
      %run_scoped3A_158 = tpu.sem_alloc : memref<!tpu.dma_semaphore, #tpu.memory_space<semaphore_mem>>
      %dma_start3A = tpu.memref_slice %arg6[%add3A_150] : memref<131072xi32, #tpu.memory_space<hbm>> -> memref<4096xi32, #tpu.memory_space<hbm>>
      %dma_start3A_159 = tpu.memref_slice %arg6[%add3A_150] : memref<131072xi32, #tpu.memory_space<hbm>> -> memref<4096xi32, #tpu.memory_space<hbm>>
      tpu.enqueue_dma source(%arg15 : memref<4096xi32, #tpu.memory_space<vmem>>) target(%dma_start3A_159 : memref<4096xi32, #tpu.memory_space<hbm>>) target_semaphore(%run_scoped3A_158 : memref<!tpu.dma_semaphore, #tpu.memory_space<semaphore_mem>>)
      %dma_wait3A = tpu.memref_slice %arg6[%add3A_150] : memref<131072xi32, #tpu.memory_space<hbm>> -> memref<4096xi32, #tpu.memory_space<hbm>>
      %dma_wait3A_160 = tpu.memref_slice %arg6[%add3A_150] : memref<131072xi32, #tpu.memory_space<hbm>> -> memref<4096xi32, #tpu.memory_space<hbm>>
      tpu.wait_dma2 semaphore(%run_scoped3A_158 : memref<!tpu.dma_semaphore, #tpu.memory_space<semaphore_mem>>) src(%arg15 : memref<4096xi32, #tpu.memory_space<vmem>>) dst(%dma_wait3A_160 : memref<4096xi32, #tpu.memory_space<hbm>>)
      tpu.yield
    }) : () -> ()
    return
  }
}

#map = affine_map<(d0, d1) -> (0)>
#map1 = affine_map<(d0, d1) -> (0, 0)>
module attributes {stable_mosaic.version = 14 : i64} {
  func.func @_scg_kernel_body(%arg0: i32, %arg1: i32, %arg2: memref<131072xi32, #tpu.memory_space<hbm>>, %arg3: memref<262144x16xf32, #tpu.memory_space<hbm>>, %arg4: memref<131072x16xf32, #tpu.memory_space<hbm>>, %arg5: memref<4096xi32, #tpu.memory_space<vmem>>, %arg6: memref<2048x16xf32, #tpu.memory_space<vmem>>, %arg7: memref<!tpu.dma_semaphore, #tpu.memory_space<semaphore_mem>>) attributes {dimension_semantics = [#tpu.dimension_semantics<core_parallel>, #tpu.dimension_semantics<subcore_parallel>], iteration_bounds = array<i64: 2, 16>, scalar_prefetch = 0 : i64, scratch_operands = 3 : i64, tpu.core_type = #tpu.core_type<sc_vector_subcore>, window_params = [{transform_indices = #map}, {transform_indices = #map1}, {transform_indices = #map1}]} {
    %mul3A = arith.constant 4 : i32
    %mul3A_0 = arith.muli %arg0, %mul3A : i32
    %jit3A = arith.constant 4 : i32
    %div3A = arith.divsi %arg1, %jit3A : i32
    %sign3A = arith.constant 0 : i32
    %sign3A_1 = arith.cmpi sgt, %arg1, %sign3A : i32
    %sign3A_2 = arith.extui %sign3A_1 : i1 to i32
    %sign3A_3 = arith.constant 0 : i32
    %sign3A_4 = arith.cmpi slt, %arg1, %sign3A_3 : i32
    %sign3A_5 = arith.extui %sign3A_4 : i1 to i32
    %sign3A_6 = arith.subi %sign3A_2, %sign3A_5 : i32
    %sign3A_7 = arith.constant 0 : i32
    %sign3A_8 = arith.cmpi sgt, %jit3A, %sign3A_7 : i32
    %sign3A_9 = arith.extui %sign3A_8 : i1 to i32
    %sign3A_10 = arith.constant 0 : i32
    %sign3A_11 = arith.cmpi slt, %jit3A, %sign3A_10 : i32
    %sign3A_12 = arith.extui %sign3A_11 : i1 to i32
    %sign3A_13 = arith.subi %sign3A_9, %sign3A_12 : i32
    %ne3A = arith.cmpi ne, %sign3A_6, %sign3A_13 : i32
    %rem3A = arith.remsi %arg1, %jit3A : i32
    %ne3A_14 = arith.constant 0 : i32
    %ne3A_15 = arith.cmpi ne, %rem3A, %ne3A_14 : i32
    %and3A = arith.andi %ne3A, %ne3A_15 : i1
    %sub3A = arith.constant 1 : i32
    %sub3A_16 = arith.subi %div3A, %sub3A : i32
    %select_n3A = arith.select %and3A, %sub3A_16, %div3A : i32
    %add3A = arith.addi %mul3A_0, %select_n3A : i32
    %jit3A_17 = arith.constant 4 : i32
    %eq3A = arith.constant 0 : i32
    %eq3A_18 = arith.cmpi eq, %jit3A_17, %eq3A : i32
    %jit3A_19 = arith.constant 1 : i32
    %select_n3A_20 = arith.select %eq3A_18, %jit3A_19, %jit3A_17 : i32
    %rem3A_21 = arith.remsi %arg1, %select_n3A_20 : i32
    %ne3A_22 = arith.constant 0 : i32
    %ne3A_23 = arith.cmpi ne, %rem3A_21, %ne3A_22 : i32
    %lt3A = arith.constant 0 : i32
    %lt3A_24 = arith.cmpi slt, %rem3A_21, %lt3A : i32
    %lt3A_25 = arith.constant 0 : i32
    %lt3A_26 = arith.cmpi slt, %select_n3A_20, %lt3A_25 : i32
    %ne3A_27 = arith.xori %lt3A_24, %lt3A_26 : i1
    %and3A_28 = arith.andi %ne3A_27, %ne3A_23 : i1
    %add3A_29 = arith.addi %rem3A_21, %select_n3A_20 : i32
    %select_n3A_30 = arith.select %and3A_28, %add3A_29, %rem3A_21 : i32
    %mul3A_31 = arith.constant 16384 : i32
    %mul3A_32 = arith.muli %add3A, %mul3A_31 : i32
    %mul3A_33 = arith.constant 4096 : i32
    %mul3A_34 = arith.muli %select_n3A_30, %mul3A_33 : i32
    %add3A_35 = arith.addi %mul3A_32, %mul3A_34 : i32
    "tpu.region"() ({
      %run_scoped3A = tpu.sem_alloc : memref<!tpu.dma_semaphore, #tpu.memory_space<semaphore_mem>>
      %dma_start3A_56 = tpu.memref_slice %arg2[%add3A_35] : memref<131072xi32, #tpu.memory_space<hbm>> -> memref<4096xi32, #tpu.memory_space<hbm>>
      %dma_start3A_57 = tpu.memref_slice %arg2[%add3A_35] : memref<131072xi32, #tpu.memory_space<hbm>> -> memref<4096xi32, #tpu.memory_space<hbm>>
      tpu.enqueue_dma source(%dma_start3A_57 : memref<4096xi32, #tpu.memory_space<hbm>>) target(%arg5 : memref<4096xi32, #tpu.memory_space<vmem>>) target_semaphore(%run_scoped3A : memref<!tpu.dma_semaphore, #tpu.memory_space<semaphore_mem>>)
      %dma_wait3A_58 = tpu.memref_slice %arg2[%add3A_35] : memref<131072xi32, #tpu.memory_space<hbm>> -> memref<4096xi32, #tpu.memory_space<hbm>>
      %dma_wait3A_59 = tpu.memref_slice %arg2[%add3A_35] : memref<131072xi32, #tpu.memory_space<hbm>> -> memref<4096xi32, #tpu.memory_space<hbm>>
      tpu.wait_dma2 semaphore(%run_scoped3A : memref<!tpu.dma_semaphore, #tpu.memory_space<semaphore_mem>>) src(%dma_wait3A_59 : memref<4096xi32, #tpu.memory_space<hbm>>) dst(%arg5 : memref<4096xi32, #tpu.memory_space<vmem>>)
      tpu.yield
    }) : () -> ()
    %dma_start3A = arith.constant 0 : i32
    %dma_start3A_36 = tpu.memref_slice %arg5[%dma_start3A] : memref<4096xi32, #tpu.memory_space<vmem>> -> memref<2048xi32, #tpu.memory_space<vmem>>
    %dma_start3A_37 = arith.constant 0 : i32
    %dma_start3A_38 = arith.constant 0 : i32
    %dma_start3A_39 = tpu.memref_slice %arg3[%dma_start3A_37, %dma_start3A_38] : memref<262144x16xf32, #tpu.memory_space<hbm>> -> memref<262144x16xf32, #tpu.memory_space<hbm>>
    tpu.enqueue_indirect_dma source(%dma_start3A_39 : memref<262144x16xf32, #tpu.memory_space<hbm>>) target(%arg6 : memref<2048x16xf32, #tpu.memory_space<vmem>>) offsets(%dma_start3A_36 : memref<2048xi32, #tpu.memory_space<vmem>>) semaphore(%arg7 : memref<!tpu.dma_semaphore, #tpu.memory_space<semaphore_mem>>)
    %dma_wait3A = arith.constant 0 : i32
    %dma_wait3A_40 = tpu.memref_slice %arg5[%dma_wait3A] : memref<4096xi32, #tpu.memory_space<vmem>> -> memref<2048xi32, #tpu.memory_space<vmem>>
    %dma_wait3A_41 = arith.constant 0 : i32
    %dma_wait3A_42 = arith.constant 0 : i32
    %dma_wait3A_43 = tpu.memref_slice %arg3[%dma_wait3A_41, %dma_wait3A_42] : memref<262144x16xf32, #tpu.memory_space<hbm>> -> memref<262144x16xf32, #tpu.memory_space<hbm>>
    tpu.wait_indirect_dma semaphore(%arg7 : memref<!tpu.dma_semaphore, #tpu.memory_space<semaphore_mem>>) src(%dma_wait3A_43 : memref<262144x16xf32, #tpu.memory_space<hbm>>) dst(%arg6 : memref<2048x16xf32, #tpu.memory_space<vmem>>)
    "tpu.region"() ({
      %run_scoped3A = tpu.sem_alloc : memref<!tpu.dma_semaphore, #tpu.memory_space<semaphore_mem>>
      %dma_start3A_56 = arith.constant 0 : i32
      %dma_start3A_57 = tpu.memref_slice %arg4[%add3A_35, %dma_start3A_56] : memref<131072x16xf32, #tpu.memory_space<hbm>> -> memref<2048x16xf32, #tpu.memory_space<hbm>>
      %dma_start3A_58 = arith.constant 0 : i32
      %dma_start3A_59 = tpu.memref_slice %arg4[%add3A_35, %dma_start3A_58] : memref<131072x16xf32, #tpu.memory_space<hbm>> -> memref<2048x16xf32, #tpu.memory_space<hbm>>
      tpu.enqueue_dma source(%arg6 : memref<2048x16xf32, #tpu.memory_space<vmem>>) target(%dma_start3A_59 : memref<2048x16xf32, #tpu.memory_space<hbm>>) target_semaphore(%run_scoped3A : memref<!tpu.dma_semaphore, #tpu.memory_space<semaphore_mem>>)
      %dma_wait3A_60 = arith.constant 0 : i32
      %dma_wait3A_61 = tpu.memref_slice %arg4[%add3A_35, %dma_wait3A_60] : memref<131072x16xf32, #tpu.memory_space<hbm>> -> memref<2048x16xf32, #tpu.memory_space<hbm>>
      %dma_wait3A_62 = arith.constant 0 : i32
      %dma_wait3A_63 = tpu.memref_slice %arg4[%add3A_35, %dma_wait3A_62] : memref<131072x16xf32, #tpu.memory_space<hbm>> -> memref<2048x16xf32, #tpu.memory_space<hbm>>
      tpu.wait_dma2 semaphore(%run_scoped3A : memref<!tpu.dma_semaphore, #tpu.memory_space<semaphore_mem>>) src(%arg6 : memref<2048x16xf32, #tpu.memory_space<vmem>>) dst(%dma_wait3A_63 : memref<2048x16xf32, #tpu.memory_space<hbm>>)
      tpu.yield
    }) : () -> ()
    %dma_start3A_44 = arith.constant 2048 : i32
    %dma_start3A_45 = tpu.memref_slice %arg5[%dma_start3A_44] : memref<4096xi32, #tpu.memory_space<vmem>> -> memref<2048xi32, #tpu.memory_space<vmem>>
    %dma_start3A_46 = arith.constant 0 : i32
    %dma_start3A_47 = arith.constant 0 : i32
    %dma_start3A_48 = tpu.memref_slice %arg3[%dma_start3A_46, %dma_start3A_47] : memref<262144x16xf32, #tpu.memory_space<hbm>> -> memref<262144x16xf32, #tpu.memory_space<hbm>>
    tpu.enqueue_indirect_dma source(%dma_start3A_48 : memref<262144x16xf32, #tpu.memory_space<hbm>>) target(%arg6 : memref<2048x16xf32, #tpu.memory_space<vmem>>) offsets(%dma_start3A_45 : memref<2048xi32, #tpu.memory_space<vmem>>) semaphore(%arg7 : memref<!tpu.dma_semaphore, #tpu.memory_space<semaphore_mem>>)
    %dma_wait3A_49 = arith.constant 2048 : i32
    %dma_wait3A_50 = tpu.memref_slice %arg5[%dma_wait3A_49] : memref<4096xi32, #tpu.memory_space<vmem>> -> memref<2048xi32, #tpu.memory_space<vmem>>
    %dma_wait3A_51 = arith.constant 0 : i32
    %dma_wait3A_52 = arith.constant 0 : i32
    %dma_wait3A_53 = tpu.memref_slice %arg3[%dma_wait3A_51, %dma_wait3A_52] : memref<262144x16xf32, #tpu.memory_space<hbm>> -> memref<262144x16xf32, #tpu.memory_space<hbm>>
    tpu.wait_indirect_dma semaphore(%arg7 : memref<!tpu.dma_semaphore, #tpu.memory_space<semaphore_mem>>) src(%dma_wait3A_53 : memref<262144x16xf32, #tpu.memory_space<hbm>>) dst(%arg6 : memref<2048x16xf32, #tpu.memory_space<vmem>>)
    %add3A_54 = arith.constant 2048 : i32
    %add3A_55 = arith.addi %add3A_35, %add3A_54 : i32
    "tpu.region"() ({
      %run_scoped3A = tpu.sem_alloc : memref<!tpu.dma_semaphore, #tpu.memory_space<semaphore_mem>>
      %dma_start3A_56 = arith.constant 0 : i32
      %dma_start3A_57 = tpu.memref_slice %arg4[%add3A_55, %dma_start3A_56] : memref<131072x16xf32, #tpu.memory_space<hbm>> -> memref<2048x16xf32, #tpu.memory_space<hbm>>
      %dma_start3A_58 = arith.constant 0 : i32
      %dma_start3A_59 = tpu.memref_slice %arg4[%add3A_55, %dma_start3A_58] : memref<131072x16xf32, #tpu.memory_space<hbm>> -> memref<2048x16xf32, #tpu.memory_space<hbm>>
      tpu.enqueue_dma source(%arg6 : memref<2048x16xf32, #tpu.memory_space<vmem>>) target(%dma_start3A_59 : memref<2048x16xf32, #tpu.memory_space<hbm>>) target_semaphore(%run_scoped3A : memref<!tpu.dma_semaphore, #tpu.memory_space<semaphore_mem>>)
      %dma_wait3A_60 = arith.constant 0 : i32
      %dma_wait3A_61 = tpu.memref_slice %arg4[%add3A_55, %dma_wait3A_60] : memref<131072x16xf32, #tpu.memory_space<hbm>> -> memref<2048x16xf32, #tpu.memory_space<hbm>>
      %dma_wait3A_62 = arith.constant 0 : i32
      %dma_wait3A_63 = tpu.memref_slice %arg4[%add3A_55, %dma_wait3A_62] : memref<131072x16xf32, #tpu.memory_space<hbm>> -> memref<2048x16xf32, #tpu.memory_space<hbm>>
      tpu.wait_dma2 semaphore(%run_scoped3A : memref<!tpu.dma_semaphore, #tpu.memory_space<semaphore_mem>>) src(%arg6 : memref<2048x16xf32, #tpu.memory_space<vmem>>) dst(%dma_wait3A_63 : memref<2048x16xf32, #tpu.memory_space<hbm>>)
      tpu.yield
    }) : () -> ()
    return
  }
}

module attributes {stable_mosaic.version = 14 : i64} {
  func.func @_tca_kernel_body(%arg0: i32, %arg1: i32, %arg2: memref<1x1x2048x128xf32, #tpu.memory_space<vmem>>, %arg3: memref<1x2048x128xi32, #tpu.memory_space<vmem>>, %arg4: memref<1x8x2048xi32, #tpu.memory_space<vmem>>, %arg5: memref<128x128xf32, #tpu.memory_space<vmem>>, %arg6: memref<1x128xf32, #tpu.memory_space<vmem>>, %arg7: memref<384x128xf32, #tpu.memory_space<vmem>>, %arg8: memref<1x1x128x128xf32, #tpu.memory_space<vmem>>, %arg9: memref<1x1x128x128xf32, #tpu.memory_space<vmem>>, %arg10: memref<1x1x128x128xf32, #tpu.memory_space<vmem>>) attributes {dimension_semantics = [#tpu.dimension_semantics<arbitrary>, #tpu.dimension_semantics<arbitrary>], iteration_bounds = array<i64: 2, 4>, scalar_prefetch = 0 : i64, scratch_operands = 0 : i64, tpu.core_type = #tpu.core_type<tc>, window_params = [{transform_indices = @transform_0, window_bounds = array<i64: 1, 1, 2048, 128>}, {transform_indices = @transform_1, window_bounds = array<i64: 1, 2048, 128>}, {transform_indices = @transform_2, window_bounds = array<i64: 1, 8, 2048>}, {pipeline_mode = #tpu.pipeline_mode<synchronous>, transform_indices = @transform_3, window_bounds = array<i64: 128, 128>}, {pipeline_mode = #tpu.pipeline_mode<synchronous>, transform_indices = @transform_4, window_bounds = array<i64: 1, 128>}, {pipeline_mode = #tpu.pipeline_mode<synchronous>, transform_indices = @transform_5, window_bounds = array<i64: 384, 128>}, {transform_indices = @transform_6, window_bounds = array<i64: 1, 1, 128, 128>}, {transform_indices = @transform_7, window_bounds = array<i64: 1, 1, 128, 128>}, {transform_indices = @transform_8, window_bounds = array<i64: 1, 1, 128, 128>}]} {
    %get3A = arith.constant 0 : index
    %get3A_0 = arith.constant 0 : index
    %get3A_1 = arith.constant 0 : index
    %get3A_2 = arith.constant 0 : index
    %get3A_3 = vector.load %arg2[%get3A, %get3A_0, %get3A_1, %get3A_2] : memref<1x1x2048x128xf32, #tpu.memory_space<vmem>>, vector<1x1x2048x128xf32>
    %get3A_4 = vector.shape_cast %get3A_3 : vector<1x1x2048x128xf32> to vector<2048x128xf32>
    %get3A_5 = arith.constant 0 : index
    %get3A_6 = arith.constant 0 : index
    %get3A_7 = arith.constant 0 : index
    %get3A_8 = vector.load %arg3[%get3A_5, %get3A_6, %get3A_7] : memref<1x2048x128xi32, #tpu.memory_space<vmem>>, vector<1x2048x128xi32>
    %get3A_9 = vector.shape_cast %get3A_8 : vector<1x2048x128xi32> to vector<2048x128xi32>
    %broadcast_in_dim3A = arith.constant 0xFF800000 : f32
    %broadcast_in_dim3A_10 = vector.broadcast %broadcast_in_dim3A : f32 to vector<1x128xf32>
    %slice3A = vector.extract_strided_slice %get3A_4 {offsets = [0, 0], sizes = [2047, 128], strides = [1, 1]} : vector<2048x128xf32> to vector<2047x128xf32>
    %concatenate3A = tpu.concatenate %broadcast_in_dim3A_10, %slice3A in 0 : vector<1x128xf32>, vector<2047x128xf32> -> vector<2048x128xf32>
    %broadcast_in_dim3A_11 = arith.constant -1 : i32
    %broadcast_in_dim3A_12 = vector.broadcast %broadcast_in_dim3A_11 : i32 to vector<1x128xi32>
    %slice3A_13 = vector.extract_strided_slice %get3A_9 {offsets = [0, 0], sizes = [2047, 128], strides = [1, 1]} : vector<2048x128xi32> to vector<2047x128xi32>
    %concatenate3A_14 = tpu.concatenate %broadcast_in_dim3A_12, %slice3A_13 in 0 : vector<1x128xi32>, vector<2047x128xi32> -> vector<2048x128xi32>
    %eq3A = arith.cmpi eq, %concatenate3A_14, %get3A_9 : vector<2048x128xi32>
    %max3A = arith.maximumf %get3A_4, %concatenate3A : vector<2048x128xf32>
    %select_n3A = arith.select %eq3A, %max3A, %get3A_4 : vector<2048x128xi1>, vector<2048x128xf32>
    %broadcast_in_dim3A_15 = arith.constant 0xFF800000 : f32
    %broadcast_in_dim3A_16 = vector.broadcast %broadcast_in_dim3A_15 : f32 to vector<2x128xf32>
    %slice3A_17 = vector.extract_strided_slice %select_n3A {offsets = [0, 0], sizes = [2046, 128], strides = [1, 1]} : vector<2048x128xf32> to vector<2046x128xf32>
    %concatenate3A_18 = tpu.concatenate %broadcast_in_dim3A_16, %slice3A_17 in 0 : vector<2x128xf32>, vector<2046x128xf32> -> vector<2048x128xf32>
    %broadcast_in_dim3A_19 = arith.constant -1 : i32
    %broadcast_in_dim3A_20 = vector.broadcast %broadcast_in_dim3A_19 : i32 to vector<2x128xi32>
    %slice3A_21 = vector.extract_strided_slice %get3A_9 {offsets = [0, 0], sizes = [2046, 128], strides = [1, 1]} : vector<2048x128xi32> to vector<2046x128xi32>
    %concatenate3A_22 = tpu.concatenate %broadcast_in_dim3A_20, %slice3A_21 in 0 : vector<2x128xi32>, vector<2046x128xi32> -> vector<2048x128xi32>
    %eq3A_23 = arith.cmpi eq, %concatenate3A_22, %get3A_9 : vector<2048x128xi32>
    %max3A_24 = arith.maximumf %select_n3A, %concatenate3A_18 : vector<2048x128xf32>
    %select_n3A_25 = arith.select %eq3A_23, %max3A_24, %select_n3A : vector<2048x128xi1>, vector<2048x128xf32>
    %broadcast_in_dim3A_26 = arith.constant 0xFF800000 : f32
    %broadcast_in_dim3A_27 = vector.broadcast %broadcast_in_dim3A_26 : f32 to vector<4x128xf32>
    %slice3A_28 = vector.extract_strided_slice %select_n3A_25 {offsets = [0, 0], sizes = [2044, 128], strides = [1, 1]} : vector<2048x128xf32> to vector<2044x128xf32>
    %concatenate3A_29 = tpu.concatenate %broadcast_in_dim3A_27, %slice3A_28 in 0 : vector<4x128xf32>, vector<2044x128xf32> -> vector<2048x128xf32>
    %broadcast_in_dim3A_30 = arith.constant -1 : i32
    %broadcast_in_dim3A_31 = vector.broadcast %broadcast_in_dim3A_30 : i32 to vector<4x128xi32>
    %slice3A_32 = vector.extract_strided_slice %get3A_9 {offsets = [0, 0], sizes = [2044, 128], strides = [1, 1]} : vector<2048x128xi32> to vector<2044x128xi32>
    %concatenate3A_33 = tpu.concatenate %broadcast_in_dim3A_31, %slice3A_32 in 0 : vector<4x128xi32>, vector<2044x128xi32> -> vector<2048x128xi32>
    %eq3A_34 = arith.cmpi eq, %concatenate3A_33, %get3A_9 : vector<2048x128xi32>
    %max3A_35 = arith.maximumf %select_n3A_25, %concatenate3A_29 : vector<2048x128xf32>
    %select_n3A_36 = arith.select %eq3A_34, %max3A_35, %select_n3A_25 : vector<2048x128xi1>, vector<2048x128xf32>
    %broadcast_in_dim3A_37 = arith.constant 0xFF800000 : f32
    %broadcast_in_dim3A_38 = vector.broadcast %broadcast_in_dim3A_37 : f32 to vector<8x128xf32>
    %slice3A_39 = vector.extract_strided_slice %select_n3A_36 {offsets = [0, 0], sizes = [2040, 128], strides = [1, 1]} : vector<2048x128xf32> to vector<2040x128xf32>
    %concatenate3A_40 = tpu.concatenate %broadcast_in_dim3A_38, %slice3A_39 in 0 : vector<8x128xf32>, vector<2040x128xf32> -> vector<2048x128xf32>
    %broadcast_in_dim3A_41 = arith.constant -1 : i32
    %broadcast_in_dim3A_42 = vector.broadcast %broadcast_in_dim3A_41 : i32 to vector<8x128xi32>
    %slice3A_43 = vector.extract_strided_slice %get3A_9 {offsets = [0, 0], sizes = [2040, 128], strides = [1, 1]} : vector<2048x128xi32> to vector<2040x128xi32>
    %concatenate3A_44 = tpu.concatenate %broadcast_in_dim3A_42, %slice3A_43 in 0 : vector<8x128xi32>, vector<2040x128xi32> -> vector<2048x128xi32>
    %eq3A_45 = arith.cmpi eq, %concatenate3A_44, %get3A_9 : vector<2048x128xi32>
    %max3A_46 = arith.maximumf %select_n3A_36, %concatenate3A_40 : vector<2048x128xf32>
    %select_n3A_47 = arith.select %eq3A_45, %max3A_46, %select_n3A_36 : vector<2048x128xi1>, vector<2048x128xf32>
    %broadcast_in_dim3A_48 = arith.constant 0xFF800000 : f32
    %broadcast_in_dim3A_49 = vector.broadcast %broadcast_in_dim3A_48 : f32 to vector<16x128xf32>
    %slice3A_50 = vector.extract_strided_slice %select_n3A_47 {offsets = [0, 0], sizes = [2032, 128], strides = [1, 1]} : vector<2048x128xf32> to vector<2032x128xf32>
    %concatenate3A_51 = tpu.concatenate %broadcast_in_dim3A_49, %slice3A_50 in 0 : vector<16x128xf32>, vector<2032x128xf32> -> vector<2048x128xf32>
    %broadcast_in_dim3A_52 = arith.constant -1 : i32
    %broadcast_in_dim3A_53 = vector.broadcast %broadcast_in_dim3A_52 : i32 to vector<16x128xi32>
    %slice3A_54 = vector.extract_strided_slice %get3A_9 {offsets = [0, 0], sizes = [2032, 128], strides = [1, 1]} : vector<2048x128xi32> to vector<2032x128xi32>
    %concatenate3A_55 = tpu.concatenate %broadcast_in_dim3A_53, %slice3A_54 in 0 : vector<16x128xi32>, vector<2032x128xi32> -> vector<2048x128xi32>
    %eq3A_56 = arith.cmpi eq, %concatenate3A_55, %get3A_9 : vector<2048x128xi32>
    %max3A_57 = arith.maximumf %select_n3A_47, %concatenate3A_51 : vector<2048x128xf32>
    %select_n3A_58 = arith.select %eq3A_56, %max3A_57, %select_n3A_47 : vector<2048x128xi1>, vector<2048x128xf32>
    %broadcast_in_dim3A_59 = arith.constant 0xFF800000 : f32
    %broadcast_in_dim3A_60 = vector.broadcast %broadcast_in_dim3A_59 : f32 to vector<32x128xf32>
    %slice3A_61 = vector.extract_strided_slice %select_n3A_58 {offsets = [0, 0], sizes = [2016, 128], strides = [1, 1]} : vector<2048x128xf32> to vector<2016x128xf32>
    %concatenate3A_62 = tpu.concatenate %broadcast_in_dim3A_60, %slice3A_61 in 0 : vector<32x128xf32>, vector<2016x128xf32> -> vector<2048x128xf32>
    %broadcast_in_dim3A_63 = arith.constant -1 : i32
    %broadcast_in_dim3A_64 = vector.broadcast %broadcast_in_dim3A_63 : i32 to vector<32x128xi32>
    %slice3A_65 = vector.extract_strided_slice %get3A_9 {offsets = [0, 0], sizes = [2016, 128], strides = [1, 1]} : vector<2048x128xi32> to vector<2016x128xi32>
    %concatenate3A_66 = tpu.concatenate %broadcast_in_dim3A_64, %slice3A_65 in 0 : vector<32x128xi32>, vector<2016x128xi32> -> vector<2048x128xi32>
    %eq3A_67 = arith.cmpi eq, %concatenate3A_66, %get3A_9 : vector<2048x128xi32>
    %max3A_68 = arith.maximumf %select_n3A_58, %concatenate3A_62 : vector<2048x128xf32>
    %select_n3A_69 = arith.select %eq3A_67, %max3A_68, %select_n3A_58 : vector<2048x128xi1>, vector<2048x128xf32>
    %broadcast_in_dim3A_70 = arith.constant 0xFF800000 : f32
    %broadcast_in_dim3A_71 = vector.broadcast %broadcast_in_dim3A_70 : f32 to vector<64x128xf32>
    %slice3A_72 = vector.extract_strided_slice %select_n3A_69 {offsets = [0, 0], sizes = [1984, 128], strides = [1, 1]} : vector<2048x128xf32> to vector<1984x128xf32>
    %concatenate3A_73 = tpu.concatenate %broadcast_in_dim3A_71, %slice3A_72 in 0 : vector<64x128xf32>, vector<1984x128xf32> -> vector<2048x128xf32>
    %broadcast_in_dim3A_74 = arith.constant -1 : i32
    %broadcast_in_dim3A_75 = vector.broadcast %broadcast_in_dim3A_74 : i32 to vector<64x128xi32>
    %slice3A_76 = vector.extract_strided_slice %get3A_9 {offsets = [0, 0], sizes = [1984, 128], strides = [1, 1]} : vector<2048x128xi32> to vector<1984x128xi32>
    %concatenate3A_77 = tpu.concatenate %broadcast_in_dim3A_75, %slice3A_76 in 0 : vector<64x128xi32>, vector<1984x128xi32> -> vector<2048x128xi32>
    %eq3A_78 = arith.cmpi eq, %concatenate3A_77, %get3A_9 : vector<2048x128xi32>
    %max3A_79 = arith.maximumf %select_n3A_69, %concatenate3A_73 : vector<2048x128xf32>
    %select_n3A_80 = arith.select %eq3A_78, %max3A_79, %select_n3A_69 : vector<2048x128xi1>, vector<2048x128xf32>
    %broadcast_in_dim3A_81 = arith.constant 0xFF800000 : f32
    %broadcast_in_dim3A_82 = vector.broadcast %broadcast_in_dim3A_81 : f32 to vector<128x128xf32>
    %slice3A_83 = vector.extract_strided_slice %select_n3A_80 {offsets = [0, 0], sizes = [1920, 128], strides = [1, 1]} : vector<2048x128xf32> to vector<1920x128xf32>
    %concatenate3A_84 = tpu.concatenate %broadcast_in_dim3A_82, %slice3A_83 in 0 : vector<128x128xf32>, vector<1920x128xf32> -> vector<2048x128xf32>
    %broadcast_in_dim3A_85 = arith.constant -1 : i32
    %broadcast_in_dim3A_86 = vector.broadcast %broadcast_in_dim3A_85 : i32 to vector<128x128xi32>
    %slice3A_87 = vector.extract_strided_slice %get3A_9 {offsets = [0, 0], sizes = [1920, 128], strides = [1, 1]} : vector<2048x128xi32> to vector<1920x128xi32>
    %concatenate3A_88 = tpu.concatenate %broadcast_in_dim3A_86, %slice3A_87 in 0 : vector<128x128xi32>, vector<1920x128xi32> -> vector<2048x128xi32>
    %eq3A_89 = arith.cmpi eq, %concatenate3A_88, %get3A_9 : vector<2048x128xi32>
    %max3A_90 = arith.maximumf %select_n3A_80, %concatenate3A_84 : vector<2048x128xf32>
    %select_n3A_91 = arith.select %eq3A_89, %max3A_90, %select_n3A_80 : vector<2048x128xi1>, vector<2048x128xf32>
    %broadcast_in_dim3A_92 = arith.constant 0xFF800000 : f32
    %broadcast_in_dim3A_93 = vector.broadcast %broadcast_in_dim3A_92 : f32 to vector<256x128xf32>
    %slice3A_94 = vector.extract_strided_slice %select_n3A_91 {offsets = [0, 0], sizes = [1792, 128], strides = [1, 1]} : vector<2048x128xf32> to vector<1792x128xf32>
    %concatenate3A_95 = tpu.concatenate %broadcast_in_dim3A_93, %slice3A_94 in 0 : vector<256x128xf32>, vector<1792x128xf32> -> vector<2048x128xf32>
    %broadcast_in_dim3A_96 = arith.constant -1 : i32
    %broadcast_in_dim3A_97 = vector.broadcast %broadcast_in_dim3A_96 : i32 to vector<256x128xi32>
    %slice3A_98 = vector.extract_strided_slice %get3A_9 {offsets = [0, 0], sizes = [1792, 128], strides = [1, 1]} : vector<2048x128xi32> to vector<1792x128xi32>
    %concatenate3A_99 = tpu.concatenate %broadcast_in_dim3A_97, %slice3A_98 in 0 : vector<256x128xi32>, vector<1792x128xi32> -> vector<2048x128xi32>
    %eq3A_100 = arith.cmpi eq, %concatenate3A_99, %get3A_9 : vector<2048x128xi32>
    %max3A_101 = arith.maximumf %select_n3A_91, %concatenate3A_95 : vector<2048x128xf32>
    %select_n3A_102 = arith.select %eq3A_100, %max3A_101, %select_n3A_91 : vector<2048x128xi1>, vector<2048x128xf32>
    %broadcast_in_dim3A_103 = arith.constant 0xFF800000 : f32
    %broadcast_in_dim3A_104 = vector.broadcast %broadcast_in_dim3A_103 : f32 to vector<512x128xf32>
    %slice3A_105 = vector.extract_strided_slice %select_n3A_102 {offsets = [0, 0], sizes = [1536, 128], strides = [1, 1]} : vector<2048x128xf32> to vector<1536x128xf32>
    %concatenate3A_106 = tpu.concatenate %broadcast_in_dim3A_104, %slice3A_105 in 0 : vector<512x128xf32>, vector<1536x128xf32> -> vector<2048x128xf32>
    %broadcast_in_dim3A_107 = arith.constant -1 : i32
    %broadcast_in_dim3A_108 = vector.broadcast %broadcast_in_dim3A_107 : i32 to vector<512x128xi32>
    %slice3A_109 = vector.extract_strided_slice %get3A_9 {offsets = [0, 0], sizes = [1536, 128], strides = [1, 1]} : vector<2048x128xi32> to vector<1536x128xi32>
    %concatenate3A_110 = tpu.concatenate %broadcast_in_dim3A_108, %slice3A_109 in 0 : vector<512x128xi32>, vector<1536x128xi32> -> vector<2048x128xi32>
    %eq3A_111 = arith.cmpi eq, %concatenate3A_110, %get3A_9 : vector<2048x128xi32>
    %max3A_112 = arith.maximumf %select_n3A_102, %concatenate3A_106 : vector<2048x128xf32>
    %select_n3A_113 = arith.select %eq3A_111, %max3A_112, %select_n3A_102 : vector<2048x128xi1>, vector<2048x128xf32>
    %broadcast_in_dim3A_114 = arith.constant 0xFF800000 : f32
    %broadcast_in_dim3A_115 = vector.broadcast %broadcast_in_dim3A_114 : f32 to vector<1024x128xf32>
    %slice3A_116 = vector.extract_strided_slice %select_n3A_113 {offsets = [0, 0], sizes = [1024, 128], strides = [1, 1]} : vector<2048x128xf32> to vector<1024x128xf32>
    %concatenate3A_117 = tpu.concatenate %broadcast_in_dim3A_115, %slice3A_116 in 0 : vector<1024x128xf32>, vector<1024x128xf32> -> vector<2048x128xf32>
    %broadcast_in_dim3A_118 = arith.constant -1 : i32
    %broadcast_in_dim3A_119 = vector.broadcast %broadcast_in_dim3A_118 : i32 to vector<1024x128xi32>
    %slice3A_120 = vector.extract_strided_slice %get3A_9 {offsets = [0, 0], sizes = [1024, 128], strides = [1, 1]} : vector<2048x128xi32> to vector<1024x128xi32>
    %concatenate3A_121 = tpu.concatenate %broadcast_in_dim3A_119, %slice3A_120 in 0 : vector<1024x128xi32>, vector<1024x128xi32> -> vector<2048x128xi32>
    %eq3A_122 = arith.cmpi eq, %concatenate3A_121, %get3A_9 : vector<2048x128xi32>
    %max3A_123 = arith.maximumf %select_n3A_113, %concatenate3A_117 : vector<2048x128xf32>
    %select_n3A_124 = arith.select %eq3A_122, %max3A_123, %select_n3A_113 : vector<2048x128xi1>, vector<2048x128xf32>
    %get3A_125 = arith.constant 0 : index
    %get3A_126 = arith.constant 0 : index
    %get3A_127 = arith.constant 0 : index
    %get3A_128 = vector.load %arg4[%get3A_125, %get3A_126, %get3A_127] : memref<1x8x2048xi32, #tpu.memory_space<vmem>>, vector<1x1x2048xi32>
    %get3A_129 = vector.shape_cast %get3A_128 : vector<1x1x2048xi32> to vector<1x2048xi32>
    %iota3A = tpu.iota {dimensions = array<i32: 0>} : vector<128x2048xi32>
    %le3A = vector.broadcast %get3A_129 : vector<1x2048xi32> to vector<128x2048xi32>
    %le3A_130 = arith.cmpi sle, %le3A, %iota3A : vector<128x2048xi32>
    %convert_element_type3A = arith.extui %le3A_130 : vector<128x2048xi1> to vector<128x2048xi32>
    %convert_element_type3A_131 = arith.sitofp %convert_element_type3A : vector<128x2048xi32> to vector<128x2048xf32>
    %reduce_sum3A = arith.constant dense<0.000000e+00> : vector<128xf32>
    %reduce_sum3A_132 = vector.multi_reduction <add>, %convert_element_type3A_131, %reduce_sum3A [1] : vector<128x2048xf32> to vector<128xf32>
    %broadcast_in_dim3A_133 = vector.shape_cast %reduce_sum3A_132 : vector<128xf32> to vector<128x1xf32>
    %eq3A_134 = vector.broadcast %get3A_129 : vector<1x2048xi32> to vector<128x2048xi32>
    %eq3A_135 = arith.cmpi eq, %eq3A_134, %iota3A : vector<128x2048xi32>
    %convert_element_type3A_136 = arith.extui %eq3A_135 : vector<128x2048xi1> to vector<128x2048xi32>
    %convert_element_type3A_137 = arith.sitofp %convert_element_type3A_136 : vector<128x2048xi32> to vector<128x2048xf32>
    %reduce_sum3A_138 = arith.constant dense<0.000000e+00> : vector<128xf32>
    %reduce_sum3A_139 = vector.multi_reduction <add>, %convert_element_type3A_137, %reduce_sum3A_138 [1] : vector<128x2048xf32> to vector<128xf32>
    %broadcast_in_dim3A_140 = vector.shape_cast %reduce_sum3A_139 : vector<128xf32> to vector<128x1xf32>
    %gt3A = arith.constant 5.000000e-01 : f32
    %gt3A_141 = vector.broadcast %gt3A : f32 to vector<128x1xf32>
    %gt3A_142 = arith.cmpf ogt, %broadcast_in_dim3A_140, %gt3A_141 : vector<128x1xf32>
    %iota3A_143 = tpu.iota {dimensions = array<i32: 1>} : vector<128x2048xi32>
    %convert_element_type3A_144 = arith.fptosi %broadcast_in_dim3A_133 : vector<128x1xf32> to vector<128x1xi32>
    %sub3A = arith.constant 1 : i32
    %sub3A_145 = vector.broadcast %sub3A : i32 to vector<128x1xi32>
    %sub3A_146 = arith.subi %convert_element_type3A_144, %sub3A_145 : vector<128x1xi32>
    %eq3A_147 = vector.broadcast %sub3A_146 : vector<128x1xi32> to vector<128x2048xi32>
    %eq3A_148 = arith.cmpi eq, %iota3A_143, %eq3A_147 : vector<128x2048xi32>
    %convert_element_type3A_149 = arith.extui %eq3A_148 : vector<128x2048xi1> to vector<128x2048xi32>
    %convert_element_type3A_150 = arith.sitofp %convert_element_type3A_149 : vector<128x2048xi32> to vector<128x2048xf32>
    %dot_general3A = arith.constant dense<0.000000e+00> : vector<128x128xf32>
    %dot_general3A_151 = tpu.matmul %convert_element_type3A_150, %select_n3A_124, %dot_general3A {dimension_numbers = #tpu.dot_dimension_numbers<[1], [0], [0], [1], [0, 0, 1, 1], [], []>, transpose_lhs_hint = false} : vector<128x2048xf32>, vector<2048x128xf32>, vector<128x128xf32> -> vector<128x128xf32>
    %jit3A = arith.constant 0.000000e+00 : f32
    %broadcast_in_dim3A_152 = vector.shape_cast %gt3A_142 : vector<128x1xi1> to vector<128x1xi1>
    %broadcast_in_dim3A_153 = vector.broadcast %broadcast_in_dim3A_152 : vector<128x1xi1> to vector<128x128xi1>
    %broadcast_in_dim3A_154 = vector.broadcast %jit3A : f32 to vector<128x128xf32>
    %select_n3A_155 = arith.select %broadcast_in_dim3A_153, %dot_general3A_151, %broadcast_in_dim3A_154 : vector<128x128xi1>, vector<128x128xf32>
    %get3A_156 = arith.constant 0 : index
    %get3A_157 = arith.constant 0 : index
    %get3A_158 = vector.load %arg5[%get3A_156, %get3A_157] : memref<128x128xf32, #tpu.memory_space<vmem>>, vector<128x128xf32>
    %dot_general3A_159 = arith.constant dense<0.000000e+00> : vector<128x128xf32>
    %dot_general3A_160 = tpu.matmul %select_n3A_155, %get3A_158, %dot_general3A_159 {dimension_numbers = #tpu.dot_dimension_numbers<[1], [0], [0], [1], [0, 0, 1, 1], [], []>, transpose_lhs_hint = false} : vector<128x128xf32>, vector<128x128xf32>, vector<128x128xf32> -> vector<128x128xf32>
    %get3A_161 = arith.constant 0 : index
    %get3A_162 = arith.constant 0 : index
    %get3A_163 = vector.load %arg6[%get3A_161, %get3A_162] : memref<1x128xf32, #tpu.memory_space<vmem>>, vector<1x128xf32>
    %add3A = vector.broadcast %get3A_163 : vector<1x128xf32> to vector<128x128xf32>
    %add3A_164 = arith.addf %dot_general3A_160, %add3A : vector<128x128xf32>
    %jit3A_165 = arith.constant 0.000000e+00 : f32
    %broadcast_in_dim3A_166 = vector.shape_cast %gt3A_142 : vector<128x1xi1> to vector<128x1xi1>
    %broadcast_in_dim3A_167 = vector.broadcast %broadcast_in_dim3A_166 : vector<128x1xi1> to vector<128x128xi1>
    %broadcast_in_dim3A_168 = vector.broadcast %jit3A_165 : f32 to vector<128x128xf32>
    %select_n3A_169 = arith.select %broadcast_in_dim3A_167, %add3A_164, %broadcast_in_dim3A_168 : vector<128x128xi1>, vector<128x128xf32>
    %swap3A = arith.constant 0 : index
    %swap3A_170 = arith.constant 0 : index
    %swap3A_171 = arith.constant 0 : index
    %swap3A_172 = arith.constant 0 : index
    %swap3A_173 = vector.load %arg8[%swap3A, %swap3A_170, %swap3A_171, %swap3A_172] : memref<1x1x128x128xf32, #tpu.memory_space<vmem>>, vector<1x1x128x128xf32>
    %swap3A_174 = vector.shape_cast %swap3A_173 : vector<1x1x128x128xf32> to vector<128x128xf32>
    %swap3A_175 = vector.shape_cast %select_n3A_169 : vector<128x128xf32> to vector<1x1x128x128xf32>
    tpu.vector_store %arg8[%swap3A, %swap3A_170, %swap3A_171, %swap3A_172], %swap3A_175 {strides = array<i32>} : memref<1x1x128x128xf32, #tpu.memory_space<vmem>>, vector<1x1x128x128xf32>,
    %get3A_176 = arith.constant 0 : index
    %get3A_177 = arith.constant 0 : index
    %get3A_178 = vector.load %arg7[%get3A_176, %get3A_177] : memref<384x128xf32, #tpu.memory_space<vmem>>, vector<128x128xf32>
    %dot_general3A_179 = arith.constant dense<0.000000e+00> : vector<128x128xf32>
    %dot_general3A_180 = tpu.matmul %add3A_164, %get3A_178, %dot_general3A_179 {dimension_numbers = #tpu.dot_dimension_numbers<[1], [0], [0], [1], [0, 0, 1, 1], [], []>, transpose_lhs_hint = false} : vector<128x128xf32>, vector<128x128xf32>, vector<128x128xf32> -> vector<128x128xf32>
    %swap3A_181 = arith.constant 0 : index
    %swap3A_182 = arith.constant 0 : index
    %swap3A_183 = arith.constant 0 : index
    %swap3A_184 = arith.constant 0 : index
    %swap3A_185 = vector.load %arg9[%swap3A_181, %swap3A_182, %swap3A_183, %swap3A_184] : memref<1x1x128x128xf32, #tpu.memory_space<vmem>>, vector<1x1x128x128xf32>
    %swap3A_186 = vector.shape_cast %swap3A_185 : vector<1x1x128x128xf32> to vector<128x128xf32>
    %swap3A_187 = vector.shape_cast %dot_general3A_180 : vector<128x128xf32> to vector<1x1x128x128xf32>
    tpu.vector_store %arg9[%swap3A_181, %swap3A_182, %swap3A_183, %swap3A_184], %swap3A_187 {strides = array<i32>} : memref<1x1x128x128xf32, #tpu.memory_space<vmem>>, vector<1x1x128x128xf32>,
    %get3A_188 = arith.constant 128 : index
    %get3A_189 = arith.constant 0 : index
    %get3A_190 = vector.load %arg7[%get3A_188, %get3A_189] : memref<384x128xf32, #tpu.memory_space<vmem>>, vector<128x128xf32>
    %dot_general3A_191 = arith.constant dense<0.000000e+00> : vector<128x128xf32>
    %dot_general3A_192 = tpu.matmul %add3A_164, %get3A_190, %dot_general3A_191 {dimension_numbers = #tpu.dot_dimension_numbers<[1], [0], [0], [1], [0, 0, 1, 1], [], []>, transpose_lhs_hint = false} : vector<128x128xf32>, vector<128x128xf32>, vector<128x128xf32> -> vector<128x128xf32>
    %swap3A_193 = arith.constant 0 : index
    %swap3A_194 = arith.constant 0 : index
    %swap3A_195 = arith.constant 0 : index
    %swap3A_196 = arith.constant 0 : index
    %swap3A_197 = vector.load %arg10[%swap3A_193, %swap3A_194, %swap3A_195, %swap3A_196] : memref<1x1x128x128xf32, #tpu.memory_space<vmem>>, vector<1x1x128x128xf32>
    %swap3A_198 = vector.shape_cast %swap3A_197 : vector<1x1x128x128xf32> to vector<128x128xf32>
    %swap3A_199 = vector.shape_cast %dot_general3A_192 : vector<128x128xf32> to vector<1x1x128x128xf32>
    tpu.vector_store %arg10[%swap3A_193, %swap3A_194, %swap3A_195, %swap3A_196], %swap3A_199 {strides = array<i32>} : memref<1x1x128x128xf32, #tpu.memory_space<vmem>>, vector<1x1x128x128xf32>,
    return
  }
  func.func @transform_0(%arg0: i32, %arg1: i32) -> (i32, i32, i32, i32) {
    %c0_i32 = arith.constant 0 : i32
    %c0_i32_0 = arith.constant 0 : i32
    %c0_i32_1 = arith.constant 0 : i32
    return %arg0, %arg1, %c0_i32, %c0_i32_0 : i32, i32, i32, i32
  }
  func.func @transform_1(%arg0: i32, %arg1: i32) -> (i32, i32, i32) {
    %c0_i32 = arith.constant 0 : i32
    %c0_i32_0 = arith.constant 0 : i32
    %c0_i32_1 = arith.constant 0 : i32
    return %arg0, %c0_i32, %c0_i32_0 : i32, i32, i32
  }
  func.func @transform_2(%arg0: i32, %arg1: i32) -> (i32, i32, i32) {
    %c0_i32 = arith.constant 0 : i32
    %c0_i32_0 = arith.constant 0 : i32
    %c0_i32_1 = arith.constant 0 : i32
    return %arg0, %c0_i32, %c0_i32_0 : i32, i32, i32
  }
  func.func @transform_3(%arg0: i32, %arg1: i32) -> (i32, i32) {
    %c0_i32 = arith.constant 0 : i32
    %c0_i32_0 = arith.constant 0 : i32
    %c0_i32_1 = arith.constant 0 : i32
    return %c0_i32, %c0_i32_0 : i32, i32
  }
  func.func @transform_4(%arg0: i32, %arg1: i32) -> (i32, i32) {
    %c0_i32 = arith.constant 0 : i32
    %c0_i32_0 = arith.constant 0 : i32
    %c0_i32_1 = arith.constant 0 : i32
    return %c0_i32, %c0_i32_0 : i32, i32
  }
  func.func @transform_5(%arg0: i32, %arg1: i32) -> (i32, i32) {
    %c0_i32 = arith.constant 0 : i32
    %c0_i32_0 = arith.constant 0 : i32
    %c0_i32_1 = arith.constant 0 : i32
    return %c0_i32, %c0_i32_0 : i32, i32
  }
  func.func @transform_6(%arg0: i32, %arg1: i32) -> (i32, i32, i32, i32) {
    %c0_i32 = arith.constant 0 : i32
    %c0_i32_0 = arith.constant 0 : i32
    %c0_i32_1 = arith.constant 0 : i32
    return %arg0, %arg1, %c0_i32, %c0_i32_0 : i32, i32, i32, i32
  }
  func.func @transform_7(%arg0: i32, %arg1: i32) -> (i32, i32, i32, i32) {
    %c0_i32 = arith.constant 0 : i32
    %c0_i32_0 = arith.constant 0 : i32
    %c0_i32_1 = arith.constant 0 : i32
    return %arg0, %arg1, %c0_i32, %c0_i32_0 : i32, i32, i32, i32
  }
  func.func @transform_8(%arg0: i32, %arg1: i32) -> (i32, i32, i32, i32) {
    %c0_i32 = arith.constant 0 : i32
    %c0_i32_0 = arith.constant 0 : i32
    %c0_i32_1 = arith.constant 0 : i32
    return %arg0, %arg1, %c0_i32, %c0_i32_0 : i32, i32, i32, i32
  }
}

module attributes {stable_mosaic.version = 14 : i64} {
  func.func @_tcb_kernel_body(%arg0: i32, %arg1: i32, %arg2: i32, %arg3: memref<1x1x1x32x128xi32, #tpu.memory_space<vmem>>, %arg4: memref<1x1x1x512x128xf32, #tpu.memory_space<vmem>>, %arg5: memref<1x1x128x128xf32, #tpu.memory_space<vmem>>, %arg6: memref<1x1x128x128xf32, #tpu.memory_space<vmem>>, %arg7: memref<16x128xf32, #tpu.memory_space<vmem>>, %arg8: memref<1x128xf32, #tpu.memory_space<vmem>>, %arg9: memref<384x128xf32, #tpu.memory_space<vmem>>, %arg10: memref<1x128xf32, #tpu.memory_space<vmem>>, %arg11: memref<1x128xf32, #tpu.memory_space<vmem>>, %arg12: memref<1x128xf32, #tpu.memory_space<vmem>>, %arg13: memref<1x1x32x128x128xf32, #tpu.memory_space<vmem>>) attributes {dimension_semantics = [#tpu.dimension_semantics<arbitrary>, #tpu.dimension_semantics<arbitrary>, #tpu.dimension_semantics<arbitrary>], iteration_bounds = array<i64: 2, 4, 4>, scalar_prefetch = 0 : i64, scratch_operands = 0 : i64, tpu.core_type = #tpu.core_type<tc>, window_params = [{transform_indices = @transform_0, window_bounds = array<i64: 1, 1, 1, 32, 128>}, {transform_indices = @transform_1, window_bounds = array<i64: 1, 1, 1, 512, 128>}, {transform_indices = @transform_2, window_bounds = array<i64: 1, 1, 128, 128>}, {transform_indices = @transform_3, window_bounds = array<i64: 1, 1, 128, 128>}, {pipeline_mode = #tpu.pipeline_mode<synchronous>, transform_indices = @transform_4, window_bounds = array<i64: 16, 128>}, {pipeline_mode = #tpu.pipeline_mode<synchronous>, transform_indices = @transform_5, window_bounds = array<i64: 1, 128>}, {pipeline_mode = #tpu.pipeline_mode<synchronous>, transform_indices = @transform_6, window_bounds = array<i64: 384, 128>}, {pipeline_mode = #tpu.pipeline_mode<synchronous>, transform_indices = @transform_7, window_bounds = array<i64: 1, 128>}, {pipeline_mode = #tpu.pipeline_mode<synchronous>, transform_indices = @transform_8, window_bounds = array<i64: 1, 128>}, {pipeline_mode = #tpu.pipeline_mode<synchronous>, transform_indices = @transform_9, window_bounds = array<i64: 1, 128>}, {transform_indices = @transform_10, window_bounds = array<i64: 1, 1, 32, 128, 128>}]} {
    %get3A = arith.constant 0 : index
    %get3A_0 = arith.constant 0 : index
    %get3A_1 = arith.constant 0 : index
    %get3A_2 = arith.constant 0 : index
    %get3A_3 = arith.constant 0 : index
    %get3A_4 = vector.load %arg3[%get3A, %get3A_0, %get3A_1, %get3A_2, %get3A_3] : memref<1x1x1x32x128xi32, #tpu.memory_space<vmem>>, vector<1x1x1x32x128xi32>
    %get3A_5 = vector.shape_cast %get3A_4 : vector<1x1x1x32x128xi32> to vector<32x128xi32>
    %get3A_6 = arith.constant 0 : index
    %get3A_7 = arith.constant 0 : index
    %get3A_8 = arith.constant 0 : index
    %get3A_9 = arith.constant 0 : index
    %get3A_10 = arith.constant 0 : index
    %get3A_11 = vector.load %arg4[%get3A_6, %get3A_7, %get3A_8, %get3A_9, %get3A_10] : memref<1x1x1x512x128xf32, #tpu.memory_space<vmem>>, vector<1x1x1x512x128xf32>
    %get3A_12 = vector.shape_cast %get3A_11 : vector<1x1x1x512x128xf32> to vector<512x128xf32>
    %get3A_13 = arith.constant 256 : index
    %get3A_14 = arith.constant 0 : index
    %get3A_15 = vector.load %arg9[%get3A_13, %get3A_14] : memref<384x128xf32, #tpu.memory_space<vmem>>, vector<128x128xf32>
    %get3A_16 = arith.constant 0 : index
    %get3A_17 = arith.constant 0 : index
    %get3A_18 = vector.load %arg7[%get3A_16, %get3A_17] : memref<16x128xf32, #tpu.memory_space<vmem>>, vector<16x128xf32>
    %dot_general3A = arith.constant dense<0.000000e+00> : vector<16x128xf32>
    %dot_general3A_19 = tpu.matmul %get3A_18, %get3A_15, %dot_general3A {dimension_numbers = #tpu.dot_dimension_numbers<[1], [0], [0], [1], [0, 0, 1, 1], [], []>, transpose_lhs_hint = false} : vector<16x128xf32>, vector<128x128xf32>, vector<16x128xf32> -> vector<16x128xf32>
    %get3A_20 = arith.constant 0 : index
    %get3A_21 = arith.constant 0 : index
    %get3A_22 = vector.load %arg10[%get3A_20, %get3A_21] : memref<1x128xf32, #tpu.memory_space<vmem>>, vector<1x128xf32>
    %get3A_23 = arith.constant 0 : index
    %get3A_24 = arith.constant 0 : index
    %get3A_25 = vector.load %arg8[%get3A_23, %get3A_24] : memref<1x128xf32, #tpu.memory_space<vmem>>, vector<1x128xf32>
    %dot_general3A_26 = arith.constant dense<0.000000e+00> : vector<1x128xf32>
    %dot_general3A_27 = tpu.matmul %get3A_25, %get3A_15, %dot_general3A_26 {dimension_numbers = #tpu.dot_dimension_numbers<[1], [0], [0], [1], [0, 0, 1, 1], [], []>, transpose_lhs_hint = false} : vector<1x128xf32>, vector<128x128xf32>, vector<1x128xf32> -> vector<1x128xf32>
    %add3A = arith.addf %get3A_22, %dot_general3A_27 : vector<1x128xf32>
    %iota3A = tpu.iota {dimensions = array<i32: 0>} : vector<128x1024xi32>
    %iota3A_28 = tpu.iota {dimensions = array<i32: 1>} : vector<128x1024xi32>
    %tile3A = tpu.concatenate %dot_general3A_19, %dot_general3A_19, %dot_general3A_19, %dot_general3A_19, %dot_general3A_19, %dot_general3A_19, %dot_general3A_19, %dot_general3A_19 in 0 : vector<16x128xf32>, vector<16x128xf32>, vector<16x128xf32>, vector<16x128xf32>, vector<16x128xf32>, vector<16x128xf32>, vector<16x128xf32>, vector<16x128xf32> -> vector<128x128xf32>
    %tile3A_29 = tpu.concatenate %tile3A, %tile3A, %tile3A, %tile3A, %tile3A, %tile3A, %tile3A, %tile3A in 1 : vector<128x128xf32>, vector<128x128xf32>, vector<128x128xf32>, vector<128x128xf32>, vector<128x128xf32>, vector<128x128xf32>, vector<128x128xf32>, vector<128x128xf32> -> vector<128x1024xf32>
    %jit3A = arith.constant 16 : i32
    %div3A = vector.broadcast %jit3A : i32 to vector<128x1024xi32>
    %div3A_30 = arith.divsi %iota3A, %div3A : vector<128x1024xi32>
    %sign3A = arith.constant 0 : i32
    %sign3A_31 = vector.broadcast %sign3A : i32 to vector<128x1024xi32>
    %sign3A_32 = arith.cmpi sgt, %iota3A, %sign3A_31 : vector<128x1024xi32>
    %sign3A_33 = arith.extui %sign3A_32 : vector<128x1024xi1> to vector<128x1024xi32>
    %sign3A_34 = arith.constant 0 : i32
    %sign3A_35 = vector.broadcast %sign3A_34 : i32 to vector<128x1024xi32>
    %sign3A_36 = arith.cmpi slt, %iota3A, %sign3A_35 : vector<128x1024xi32>
    %sign3A_37 = arith.extui %sign3A_36 : vector<128x1024xi1> to vector<128x1024xi32>
    %sign3A_38 = arith.subi %sign3A_33, %sign3A_37 : vector<128x1024xi32>
    %sign3A_39 = arith.constant 0 : i32
    %sign3A_40 = arith.cmpi sgt, %jit3A, %sign3A_39 : i32
    %sign3A_41 = arith.extui %sign3A_40 : i1 to i32
    %sign3A_42 = arith.constant 0 : i32
    %sign3A_43 = arith.cmpi slt, %jit3A, %sign3A_42 : i32
    %sign3A_44 = arith.extui %sign3A_43 : i1 to i32
    %sign3A_45 = arith.subi %sign3A_41, %sign3A_44 : i32
    %ne3A = vector.broadcast %sign3A_45 : i32 to vector<128x1024xi32>
    %ne3A_46 = arith.cmpi ne, %sign3A_38, %ne3A : vector<128x1024xi32>
    %rem3A = vector.broadcast %jit3A : i32 to vector<128x1024xi32>
    %rem3A_47 = arith.remsi %iota3A, %rem3A : vector<128x1024xi32>
    %ne3A_48 = arith.constant 0 : i32
    %ne3A_49 = vector.broadcast %ne3A_48 : i32 to vector<128x1024xi32>
    %ne3A_50 = arith.cmpi ne, %rem3A_47, %ne3A_49 : vector<128x1024xi32>
    %and3A = arith.andi %ne3A_46, %ne3A_50 : vector<128x1024xi1>
    %sub3A = arith.constant 1 : i32
    %sub3A_51 = vector.broadcast %sub3A : i32 to vector<128x1024xi32>
    %sub3A_52 = arith.subi %div3A_30, %sub3A_51 : vector<128x1024xi32>
    %select_n3A = arith.select %and3A, %sub3A_52, %div3A_30 : vector<128x1024xi1>, vector<128x1024xi32>
    %jit3A_53 = arith.constant 128 : i32
    %div3A_54 = vector.broadcast %jit3A_53 : i32 to vector<128x1024xi32>
    %div3A_55 = arith.divsi %iota3A_28, %div3A_54 : vector<128x1024xi32>
    %sign3A_56 = arith.constant 0 : i32
    %sign3A_57 = vector.broadcast %sign3A_56 : i32 to vector<128x1024xi32>
    %sign3A_58 = arith.cmpi sgt, %iota3A_28, %sign3A_57 : vector<128x1024xi32>
    %sign3A_59 = arith.extui %sign3A_58 : vector<128x1024xi1> to vector<128x1024xi32>
    %sign3A_60 = arith.constant 0 : i32
    %sign3A_61 = vector.broadcast %sign3A_60 : i32 to vector<128x1024xi32>
    %sign3A_62 = arith.cmpi slt, %iota3A_28, %sign3A_61 : vector<128x1024xi32>
    %sign3A_63 = arith.extui %sign3A_62 : vector<128x1024xi1> to vector<128x1024xi32>
    %sign3A_64 = arith.subi %sign3A_59, %sign3A_63 : vector<128x1024xi32>
    %sign3A_65 = arith.constant 0 : i32
    %sign3A_66 = arith.cmpi sgt, %jit3A_53, %sign3A_65 : i32
    %sign3A_67 = arith.extui %sign3A_66 : i1 to i32
    %sign3A_68 = arith.constant 0 : i32
    %sign3A_69 = arith.cmpi slt, %jit3A_53, %sign3A_68 : i32
    %sign3A_70 = arith.extui %sign3A_69 : i1 to i32
    %sign3A_71 = arith.subi %sign3A_67, %sign3A_70 : i32
    %ne3A_72 = vector.broadcast %sign3A_71 : i32 to vector<128x1024xi32>
    %ne3A_73 = arith.cmpi ne, %sign3A_64, %ne3A_72 : vector<128x1024xi32>
    %rem3A_74 = vector.broadcast %jit3A_53 : i32 to vector<128x1024xi32>
    %rem3A_75 = arith.remsi %iota3A_28, %rem3A_74 : vector<128x1024xi32>
    %ne3A_76 = arith.constant 0 : i32
    %ne3A_77 = vector.broadcast %ne3A_76 : i32 to vector<128x1024xi32>
    %ne3A_78 = arith.cmpi ne, %rem3A_75, %ne3A_77 : vector<128x1024xi32>
    %and3A_79 = arith.andi %ne3A_73, %ne3A_78 : vector<128x1024xi1>
    %sub3A_80 = arith.constant 1 : i32
    %sub3A_81 = vector.broadcast %sub3A_80 : i32 to vector<128x1024xi32>
    %sub3A_82 = arith.subi %div3A_55, %sub3A_81 : vector<128x1024xi32>
    %select_n3A_83 = arith.select %and3A_79, %sub3A_82, %div3A_55 : vector<128x1024xi1>, vector<128x1024xi32>
    %eq3A = arith.cmpi eq, %select_n3A, %select_n3A_83 : vector<128x1024xi32>
    %jit3A_84 = arith.constant 0.000000e+00 : f32
    %broadcast_in_dim3A = vector.broadcast %jit3A_84 : f32 to vector<128x1024xf32>
    %select_n3A_85 = arith.select %eq3A, %tile3A_29, %broadcast_in_dim3A : vector<128x1024xi1>, vector<128x1024xf32>
    %dot_general3A_86 = arith.constant dense<0.000000e+00> : vector<512x1024xf32>
    %dot_general3A_87 = tpu.matmul %get3A_12, %select_n3A_85, %dot_general3A_86 {dimension_numbers = #tpu.dot_dimension_numbers<[1], [0], [0], [1], [0, 0, 1, 1], [], []>, transpose_lhs_hint = false} : vector<512x128xf32>, vector<128x1024xf32>, vector<512x1024xf32> -> vector<512x1024xf32>
    %reshape3A = vector.shape_cast %dot_general3A_87 : vector<512x1024xf32> to vector<512x8x128xf32>
    %reshape3A_88 = vector.shape_cast %reshape3A : vector<512x8x128xf32> to vector<32x128x128xf32>
    %mul3A = arith.constant 32 : i32
    %mul3A_89 = arith.muli %arg2, %mul3A : i32
    %get3A_90 = arith.constant 0 : index
    %get3A_91 = arith.constant 0 : index
    %get3A_92 = arith.constant 0 : index
    %get3A_93 = arith.constant 0 : index
    %get3A_94 = vector.load %arg5[%get3A_90, %get3A_91, %get3A_92, %get3A_93] : memref<1x1x128x128xf32, #tpu.memory_space<vmem>>, vector<1x1x128x128xf32>
    %get3A_95 = vector.shape_cast %get3A_94 : vector<1x1x128x128xf32> to vector<128x128xf32>
    %get3A_96 = arith.constant 0 : index
    %get3A_97 = arith.constant 0 : index
    %get3A_98 = arith.constant 0 : index
    %get3A_99 = arith.constant 0 : index
    %get3A_100 = vector.load %arg6[%get3A_96, %get3A_97, %get3A_98, %get3A_99] : memref<1x1x128x128xf32, #tpu.memory_space<vmem>>, vector<1x1x128x128xf32>
    %get3A_101 = vector.shape_cast %get3A_100 : vector<1x1x128x128xf32> to vector<128x128xf32>
    %get3A_102 = arith.constant 0 : index
    %get3A_103 = arith.constant 0 : index
    %get3A_104 = arith.index_cast %mul3A_89 : i32 to index
    %get3A_105 = arith.constant 0 : index
    %get3A_106 = vector.load %arg5[%get3A_102, %get3A_103, %get3A_104, %get3A_105] : memref<1x1x128x128xf32, #tpu.memory_space<vmem>>, vector<1x1x32x128xf32>
    %get3A_107 = vector.shape_cast %get3A_106 : vector<1x1x32x128xf32> to vector<32x128xf32>
    %get3A_108 = arith.constant 0 : index
    %get3A_109 = arith.constant 0 : index
    %get3A_110 = arith.index_cast %mul3A_89 : i32 to index
    %get3A_111 = arith.constant 0 : index
    %get3A_112 = vector.load %arg6[%get3A_108, %get3A_109, %get3A_110, %get3A_111] : memref<1x1x128x128xf32, #tpu.memory_space<vmem>>, vector<1x1x32x128xf32>
    %get3A_113 = vector.shape_cast %get3A_112 : vector<1x1x32x128xf32> to vector<32x128xf32>
    %broadcast_in_dim3A_114 = vector.shape_cast %get3A_107 : vector<32x128xf32> to vector<32x1x128xf32>
    %broadcast_in_dim3A_115 = vector.shape_cast %get3A_101 : vector<128x128xf32> to vector<1x128x128xf32>
    %add3A_116 = vector.broadcast %broadcast_in_dim3A_114 : vector<32x1x128xf32> to vector<32x128x128xf32>
    %add3A_117 = vector.broadcast %broadcast_in_dim3A_115 : vector<1x128x128xf32> to vector<32x128x128xf32>
    %add3A_118 = arith.addf %add3A_116, %add3A_117 : vector<32x128x128xf32>
    %broadcast_in_dim3A_119 = vector.shape_cast %get3A_113 : vector<32x128xf32> to vector<32x1x128xf32>
    %broadcast_in_dim3A_120 = vector.shape_cast %get3A_95 : vector<128x128xf32> to vector<1x128x128xf32>
    %add3A_121 = vector.broadcast %broadcast_in_dim3A_119 : vector<32x1x128xf32> to vector<32x128x128xf32>
    %add3A_122 = vector.broadcast %broadcast_in_dim3A_120 : vector<1x128x128xf32> to vector<32x128x128xf32>
    %add3A_123 = arith.addf %add3A_121, %add3A_122 : vector<32x128x128xf32>
    %broadcast_in_dim3A_124 = vector.shape_cast %get3A_5 : vector<32x128xi32> to vector<32x128x1xi32>
    %broadcast_in_dim3A_125 = vector.broadcast %broadcast_in_dim3A_124 : vector<32x128x1xi32> to vector<32x128x128xi32>
    %lt3A = arith.constant 32768 : i32
    %lt3A_126 = vector.broadcast %lt3A : i32 to vector<32x128x128xi32>
    %lt3A_127 = arith.cmpi slt, %broadcast_in_dim3A_125, %lt3A_126 : vector<32x128x128xi32>
    %ge3A = arith.constant 0 : i32
    %ge3A_128 = vector.broadcast %ge3A : i32 to vector<32x128x128xi32>
    %ge3A_129 = arith.cmpi sge, %broadcast_in_dim3A_125, %ge3A_128 : vector<32x128x128xi32>
    %select_n3A_130 = arith.select %lt3A_127, %add3A_118, %add3A_123 : vector<32x128x128xi1>, vector<32x128x128xf32>
    %add3A_131 = arith.addf %select_n3A_130, %reshape3A_88 : vector<32x128x128xf32>
    %reshape3A_132 = vector.shape_cast %add3A : vector<1x128xf32> to vector<1x1x128xf32>
    %add3A_133 = vector.broadcast %reshape3A_132 : vector<1x1x128xf32> to vector<32x128x128xf32>
    %add3A_134 = arith.addf %add3A_131, %add3A_133 : vector<32x128x128xf32>
    %max3A = arith.constant 0.000000e+00 : f32
    %max3A_135 = vector.broadcast %max3A : f32 to vector<32x128x128xf32>
    %max3A_136 = arith.maximumf %add3A_134, %max3A_135 : vector<32x128x128xf32>
    %reduce_sum3A = arith.constant dense<0.000000e+00> : vector<32x128xf32>
    %reduce_sum3A_137 = vector.multi_reduction <add>, %max3A_136, %reduce_sum3A [2] : vector<32x128x128xf32> to vector<32x128xf32>
    %broadcast_in_dim3A_138 = vector.shape_cast %reduce_sum3A_137 : vector<32x128xf32> to vector<32x128x1xf32>
    %div3A_139 = arith.constant 1.280000e+02 : f32
    %div3A_140 = vector.broadcast %div3A_139 : f32 to vector<32x128x1xf32>
    %div3A_141 = arith.divf %broadcast_in_dim3A_138, %div3A_140 : vector<32x128x1xf32>
    %sub3A_142 = vector.broadcast %div3A_141 : vector<32x128x1xf32> to vector<32x128x128xf32>
    %sub3A_143 = arith.subf %max3A_136, %sub3A_142 : vector<32x128x128xf32>
    %integer_pow3A = arith.mulf %sub3A_143, %sub3A_143 : vector<32x128x128xf32>
    %reduce_sum3A_144 = arith.constant dense<0.000000e+00> : vector<32x128xf32>
    %reduce_sum3A_145 = vector.multi_reduction <add>, %integer_pow3A, %reduce_sum3A_144 [2] : vector<32x128x128xf32> to vector<32x128xf32>
    %broadcast_in_dim3A_146 = vector.shape_cast %reduce_sum3A_145 : vector<32x128xf32> to vector<32x128x1xf32>
    %div3A_147 = arith.constant 1.280000e+02 : f32
    %div3A_148 = vector.broadcast %div3A_147 : f32 to vector<32x128x1xf32>
    %div3A_149 = arith.divf %broadcast_in_dim3A_146, %div3A_148 : vector<32x128x1xf32>
    %get3A_150 = arith.constant 0 : index
    %get3A_151 = arith.constant 0 : index
    %get3A_152 = vector.load %arg11[%get3A_150, %get3A_151] : memref<1x128xf32, #tpu.memory_space<vmem>>, vector<1x128xf32>
    %reshape3A_153 = vector.shape_cast %get3A_152 : vector<1x128xf32> to vector<1x1x128xf32>
    %sub3A_154 = vector.broadcast %div3A_141 : vector<32x128x1xf32> to vector<32x128x128xf32>
    %sub3A_155 = arith.subf %max3A_136, %sub3A_154 : vector<32x128x128xf32>
    %mul3A_156 = vector.broadcast %reshape3A_153 : vector<1x1x128xf32> to vector<32x128x128xf32>
    %mul3A_157 = arith.mulf %mul3A_156, %sub3A_155 : vector<32x128x128xf32>
    %add3A_158 = arith.constant 9.99999974E-6 : f32
    %add3A_159 = vector.broadcast %add3A_158 : f32 to vector<32x128x1xf32>
    %add3A_160 = arith.addf %div3A_149, %add3A_159 : vector<32x128x1xf32>
    %sqrt3A = math.sqrt %add3A_160 : vector<32x128x1xf32>
    %div3A_161 = vector.broadcast %sqrt3A : vector<32x128x1xf32> to vector<32x128x128xf32>
    %div3A_162 = arith.divf %mul3A_157, %div3A_161 : vector<32x128x128xf32>
    %get3A_163 = arith.constant 0 : index
    %get3A_164 = arith.constant 0 : index
    %get3A_165 = vector.load %arg12[%get3A_163, %get3A_164] : memref<1x128xf32, #tpu.memory_space<vmem>>, vector<1x128xf32>
    %reshape3A_166 = vector.shape_cast %get3A_165 : vector<1x128xf32> to vector<1x1x128xf32>
    %add3A_167 = vector.broadcast %reshape3A_166 : vector<1x1x128xf32> to vector<32x128x128xf32>
    %add3A_168 = arith.addf %div3A_162, %add3A_167 : vector<32x128x128xf32>
    %jit3A_169 = arith.constant 0.000000e+00 : f32
    %broadcast_in_dim3A_170 = vector.broadcast %jit3A_169 : f32 to vector<32x128x128xf32>
    %select_n3A_171 = arith.select %ge3A_129, %add3A_168, %broadcast_in_dim3A_170 : vector<32x128x128xi1>, vector<32x128x128xf32>
    %swap3A = arith.constant 0 : index
    %swap3A_172 = arith.constant 0 : index
    %swap3A_173 = arith.constant 0 : index
    %swap3A_174 = arith.constant 0 : index
    %swap3A_175 = arith.constant 0 : index
    %swap3A_176 = vector.load %arg13[%swap3A, %swap3A_172, %swap3A_173, %swap3A_174, %swap3A_175] : memref<1x1x32x128x128xf32, #tpu.memory_space<vmem>>, vector<1x1x32x128x128xf32>
    %swap3A_177 = vector.shape_cast %swap3A_176 : vector<1x1x32x128x128xf32> to vector<32x128x128xf32>
    %swap3A_178 = vector.shape_cast %select_n3A_171 : vector<32x128x128xf32> to vector<1x1x32x128x128xf32>
    tpu.vector_store %arg13[%swap3A, %swap3A_172, %swap3A_173, %swap3A_174, %swap3A_175], %swap3A_178 {strides = array<i32>} : memref<1x1x32x128x128xf32, #tpu.memory_space<vmem>>, vector<1x1x32x128x128xf32>,
    return
  }
  func.func @transform_0(%arg0: i32, %arg1: i32, %arg2: i32) -> (i32, i32, i32, i32, i32) {
    %c0_i32 = arith.constant 0 : i32
    %c0_i32_0 = arith.constant 0 : i32
    %c0_i32_1 = arith.constant 0 : i32
    return %arg0, %arg1, %arg2, %c0_i32, %c0_i32_0 : i32, i32, i32, i32, i32
  }
  func.func @transform_1(%arg0: i32, %arg1: i32, %arg2: i32) -> (i32, i32, i32, i32, i32) {
    %c0_i32 = arith.constant 0 : i32
    %c0_i32_0 = arith.constant 0 : i32
    %c0_i32_1 = arith.constant 0 : i32
    return %arg0, %arg1, %arg2, %c0_i32, %c0_i32_0 : i32, i32, i32, i32, i32
  }
  func.func @transform_2(%arg0: i32, %arg1: i32, %arg2: i32) -> (i32, i32, i32, i32) {
    %c0_i32 = arith.constant 0 : i32
    %c0_i32_0 = arith.constant 0 : i32
    %c0_i32_1 = arith.constant 0 : i32
    return %arg0, %arg1, %c0_i32, %c0_i32_0 : i32, i32, i32, i32
  }
  func.func @transform_3(%arg0: i32, %arg1: i32, %arg2: i32) -> (i32, i32, i32, i32) {
    %c0_i32 = arith.constant 0 : i32
    %c0_i32_0 = arith.constant 0 : i32
    %c0_i32_1 = arith.constant 0 : i32
    return %arg0, %arg1, %c0_i32, %c0_i32_0 : i32, i32, i32, i32
  }
  func.func @transform_4(%arg0: i32, %arg1: i32, %arg2: i32) -> (i32, i32) {
    %c0_i32 = arith.constant 0 : i32
    %c0_i32_0 = arith.constant 0 : i32
    %c0_i32_1 = arith.constant 0 : i32
    return %c0_i32, %c0_i32_0 : i32, i32
  }
  func.func @transform_5(%arg0: i32, %arg1: i32, %arg2: i32) -> (i32, i32) {
    %c0_i32 = arith.constant 0 : i32
    %c0_i32_0 = arith.constant 0 : i32
    %c0_i32_1 = arith.constant 0 : i32
    return %c0_i32, %c0_i32_0 : i32, i32
  }
  func.func @transform_6(%arg0: i32, %arg1: i32, %arg2: i32) -> (i32, i32) {
    %c0_i32 = arith.constant 0 : i32
    %c0_i32_0 = arith.constant 0 : i32
    %c0_i32_1 = arith.constant 0 : i32
    return %c0_i32, %c0_i32_0 : i32, i32
  }
  func.func @transform_7(%arg0: i32, %arg1: i32, %arg2: i32) -> (i32, i32) {
    %c0_i32 = arith.constant 0 : i32
    %c0_i32_0 = arith.constant 0 : i32
    %c0_i32_1 = arith.constant 0 : i32
    return %c0_i32, %c0_i32_0 : i32, i32
  }
  func.func @transform_8(%arg0: i32, %arg1: i32, %arg2: i32) -> (i32, i32) {
    %c0_i32 = arith.constant 0 : i32
    %c0_i32_0 = arith.constant 0 : i32
    %c0_i32_1 = arith.constant 0 : i32
    return %c0_i32, %c0_i32_0 : i32, i32
  }
  func.func @transform_9(%arg0: i32, %arg1: i32, %arg2: i32) -> (i32, i32) {
    %c0_i32 = arith.constant 0 : i32
    %c0_i32_0 = arith.constant 0 : i32
    %c0_i32_1 = arith.constant 0 : i32
    return %c0_i32, %c0_i32_0 : i32, i32
  }
  func.func @transform_10(%arg0: i32, %arg1: i32, %arg2: i32) -> (i32, i32, i32, i32, i32) {
    %c0_i32 = arith.constant 0 : i32
    %c0_i32_0 = arith.constant 0 : i32
    %c0_i32_1 = arith.constant 0 : i32
    return %arg0, %arg1, %arg2, %c0_i32, %c0_i32_0 : i32, i32, i32, i32, i32
  }
}

</mosaic_0001>

<sc_bundles>
// kernel: kernel.6.cloned.1.call-start
scs
__scs_entry_jumppad:
0x0: {  	(pc) =	sbr.rel $0x88, $3  }
0x1: {  	(tag) =	ssettag $0x0;
	lr =	simm.s32 $0x1  }
0x2: {  	[smem:$0x3F95] =	sst lr;
	_ =	strace $0xD0000000  }
0x3: {  	_ = 	snop  }
0x4: {  	_ = 	snop  }
0x5: {  	_ = 	snop  }
0x6: {  	_ = 	snop  }
0x7: {  	_ = 	snop  }
__scs_overlays_trampoline_lowered:
0x8: {  	[smem:$0x3FA4] =	sst s0  }
0x9: {  	[smem:$0x3FA5] =	sst s1  }
0xa: {  	[smem:$0x3FA6] =	sst s2  }
0xb: {  	[smem:$0x3FA7] =	sst s3  }
0xc: {  	[smem:$0x3FA8] =	sst s4  }
0xd: {  	[smem:$0x3FA9] =	sst s5  }
0xe: {  	[smem:$0x3FAA] =	sst s6  }
0xf: {  	[smem:$0x3FAB] =	sst s7  }
0x10: {  	[smem:$0x3FAC] =	sst s8  }
0x11: {  	[smem:$0x3FAD] =	sst s9;
	s0 =	simm.s32 @!p0 $0x0  }
0x12: {  	s1 =	sld [smem:$0x3F93];
	s0 =	simm.s32 @p0 $0x1  }
0x13: {  	[smem:$0x3FAE] =	sst s0;
	s0 =	simm.s32 @!p1 $0x0  }
0x14: {  	s2 =	sld [smem:$0x3F92];
	s0 =	simm.s32 @p1 $0x1  }
0x15: {  	[smem:$0x3FAF] =	sst s0;
	s0 =	simm.s32 @!p2 $0x0  }
0x16: {  	s3 =	sld [smem:$0x3FDB];
	s0 =	simm.s32 @p2 $0x1  }
0x17: {  	s4 =	simm.s32 $0x1BF5;
	[smem:$0x3FB1] =	sst s0  }
0x18: {  	s0 =	sld [smem:$0x3F94];
	_ =	swait.ge [sflag:s4], $0x0  }
0x19: {  	s7 =	sld [smem:$0x3F95]  }
0x1a: {  	s8 =	sadd.s32 $0xFFFFE003, lr  }
0x1b: {  	s9 =	sadd.s32 $0xFFFFFEF7, lr;
	s5 =	simm.s32 $0xFFFFFFFF;
	p2 =	slt.u32 s8, $0xFFFFF086  }
0x1c: {  	p1 =	slt.u32 s9, $0xF7A;
	s5 =	simm.s32 @!p2 $0x0  }
0x1d: {  	s5 =	simm.s32 @p1 $0x1;
	p0 =	seq.s32 s7, s2  }
0x1e: {  	s7 =	smul.u32 @!p0 $0xF7A, s2;
	p2 =	seq.s32 @!p0 s5, $0x0  }
0x1f: {  	s9 =	smul.u32 $0xF7A, s1;
	s8 =	simm.s32 @!p0 $0x1BF5;
	p2 =	por !p2, p0  }
0x20: {  	[sflag:s8] =	ssyncset.s32 @!p0 $0xFFFFF086;
	s6 =	sadd.s32 @!p0 s3, s7;
	s7 =	simm.s32 @!p0 $0x108  }
0x21: {  	s3 =	sadd.s32 s3, s9;
	s6 =	sadd.s32 @!p0 $0x88, s6;
	s7 =	simm.s32 @p2 $0x1082  }
0x22: {  	[simem:s7], [sflag:s8] =	dma.local @!p0 [hbm:s6], $0xF7A  }
0x23: {  	s9 =	sor.u32 $0xD0000000, s2;
	s6 =	simm.s32 $0x108;
	_ =	swait.ge @!p0 [sflag:s8], $0x0  }
0x24: {  	s3 =	sadd.s32 $0x88, s3;
	s6 =	simm.s32 @!p1 $0x1082;
	[sflag:s4] =	ssyncset.s32 $0xFFFFF086  }
0x25: {  	[simem:s6], [sflag:s4] =	dma.local [hbm:s3], $0xF7A  }
0x26: {  	[smem:$0x3F95] =	sst s1;
	(tag) =	ssettag s2;
	_ =	strace s9  }
0x27: {  	s1 =	sld [smem:$0x3FA5]  }
0x28: {  	s2 =	sld [smem:$0x3FA6]  }
0x29: {  	s4 =	sld [smem:$0x3FA8]  }
0x2a: {  	p0 =	seq.s32 s5, $0x0;
	s5 =	sld [smem:$0x3FA9]  }
0x2b: {  	s6 =	sld [smem:$0x3FAA]  }
0x2c: {  	s7 =	sld [smem:$0x3FAB]  }
0x2d: {  	s3 =	simm.s32 $0x108;
	s8 =	sld [smem:$0x3FAC]  }
0x2e: {  	s3 =	simm.s32 @!p0 $0x1082;
	s9 =	sld [smem:$0x3FAD]  }
0x2f: {  	lr =	sadd.s32 s0, s3;
	s0 =	sld [smem:$0x3FA4]  }
0x30: {  	s3 =	sld [smem:$0x3FA7]  }
0x31: {  	[smem:$0x3FB0] =	sst s10  }
0x32: {  	s10 =	sld [smem:$0x3FAE];
	_ =	sdelay $0x3  }
0x33: {  	p0 =	seq.s32 s10, $0x1;
	s10 =	sld [smem:$0x3FB0];
	_ =	sdelay $0x3  }
0x34: {  	[smem:$0x3FB0] =	sst s10  }
0x35: {  	s10 =	sld [smem:$0x3FAF];
	_ =	sdelay $0x3  }
0x36: {  	p1 =	seq.s32 s10, $0x1;
	s10 =	sld [smem:$0x3FB0];
	_ =	sdelay $0x3  }
0x37: {  	[smem:$0x3FB0] =	sst s10  }
0x38: {  	s10 =	sld [smem:$0x3FB1]  }
0x39: {  	_ = 	snop;
	(pc) =	sbr.ind lr, $3  }
0x3a: {  	_ = 	snop  }
0x3b: {  	_ = 	snop  }
0x3c: {  	p2 =	seq.s32 s10, $0x1;
	s10 =	sld [smem:$0x3FB0]  }
0x3d: {  	_ =	shalt  }
0x3e: {  	_ =	shalt  }
0x3f: {  	_ =	shalt  }
0x40: {  	_ =	shalt  }
0x41: {  	_ =	shalt  }
0x42: {  	_ =	shalt  }
0x43: {  	_ =	shalt  }
0x44: {  	_ =	shalt  }
0x45: {  	_ =	shalt  }
0x46: {  	_ =	shalt  }
0x47: {  	_ =	shalt  }
0x48: {  	_ =	shalt  }
0x49: {  	_ =	shalt  }
0x4a: {  	_ =	shalt  }
0x4b: {  	_ =	shalt  }
0x4c: {  	_ =	shalt  }
0x4d: {  	_ =	shalt  }
0x4e: {  	_ =	shalt  }
0x4f: {  	_ =	shalt  }
0x50: {  	_ =	shalt  }
0x51: {  	_ =	shalt  }
0x52: {  	_ =	shalt  }
0x53: {  	_ =	shalt  }
0x54: {  	_ =	shalt  }
0x55: {  	_ =	shalt  }
0x56: {  	_ =	shalt  }
0x57: {  	_ =	shalt  }
0x58: {  	_ =	shalt  }
0x59: {  	_ =	shalt  }
0x5a: {  	_ =	shalt  }
0x5b: {  	_ =	shalt  }
0x5c: {  	_ =	shalt  }
0x5d: {  	_ =	shalt  }
0x5e: {  	_ =	shalt  }
0x5f: {  	_ =	shalt  }
0x60: {  	_ =	shalt  }
0x61: {  	_ =	shalt  }
0x62: {  	_ =	shalt  }
0x63: {  	_ =	shalt  }
0x64: {  	_ =	shalt  }
0x65: {  	_ =	shalt  }
0x66: {  	_ =	shalt  }
0x67: {  	_ =	shalt  }
0x68: {  	_ =	shalt  }
0x69: {  	_ =	shalt  }
0x6a: {  	_ =	shalt  }
0x6b: {  	_ =	shalt  }
0x6c: {  	_ =	shalt  }
0x6d: {  	_ =	shalt  }
0x6e: {  	_ =	shalt  }
0x6f: {  	_ =	shalt  }
0x70: {  	_ =	shalt  }
0x71: {  	_ =	shalt  }
0x72: {  	_ =	shalt  }
0x73: {  	_ =	shalt  }
0x74: {  	_ =	shalt  }
0x75: {  	_ =	shalt  }
0x76: {  	_ =	shalt  }
0x77: {  	_ =	shalt  }
0x78: {  	_ =	shalt  }
0x79: {  	_ =	shalt  }
0x7a: {  	_ =	shalt  }
0x7b: {  	_ =	shalt  }
0x7c: {  	_ =	shalt  }
0x7d: {  	_ =	shalt  }
0x7e: {  	_ =	shalt  }
0x7f: {  	_ =	shalt  }
0x80: {  	_ =	shalt  }
0x81: {  	_ =	shalt  }
0x82: {  	_ =	shalt  }
0x83: {  	_ =	shalt  }
0x84: {  	_ =	shalt  }
0x85: {  	_ =	shalt  }
0x86: {  	_ =	shalt  }
0x87: {  	_ =	shalt  }
.Lfunc_end0:
.L_simem_size_0:
called_computation_lowered:
.L_overlay_start_0:
0x88: {  	s2 =	sld [smem:$0x3FD9]  }
0x89: {  	s3 =	sld [smem:$0x3FFE];
	_ =	sdelay $0x1  }
0x8a: {  	s1 =	srdreg.scid  }
0x8b: {  	s0 =	sand.u32 $0x1, s1  }
0x8c: {  	s14 =	sshll.u32 s0, $0xA;
	s2 =	sadd.s32 s3, s2  }
0x8d: {  	s2 =	sadd.s32 s2, s14  }
0x8e: {  	[smem:$0x3FBC] =	sst s2  }
0x8f: {  	_ = 	snop  }
0x90: {  	s2 =	sld [smem:$0x3FD0];
	_ =	sdelay $0x2  }
0x91: {  	s15 =	simm.s32 $0xA;
	s4 =	simm.s32 $0x10  }
0x92: {  	[smem:s4], [sflag:s15] =	dma.local [hbm:s2], $0x1  }
0x93: {  	_ =	swait.eq [sflag:s15], $0x1  }
0x94: {  	[sflag:s15] =	ssyncset.done $0x0  }
0x95: {  	[sflag:s15] =	ssyncadd.s32 $0xFFFFFFFF  }
0x96: {  	s16 =	sld [smem:$0x11];
	(tm) =	ssettm $0x1  }
0x97: {  	s17 =	sld [smem:$0x3FFB];
	_ =	sdelay $0x3  }
0x98: {  	_ =	strace s17  }
0x99: {  	s3 =	sld [smem:$0x3FFC];
	_ =	sdelay $0x3  }
0x9a: {  	_ =	strace s3  }
0x9b: {  	s3 =	sld [smem:$0x3FFD];
	_ =	sdelay $0x3  }
0x9c: {  	_ =	strace s3  }
0x9d: {  	_ =	strace $0x8FFFFFFF  }
0x9e: {  	s18 =	sld [smem:$0x3FDB];
	_ =	sdelay $0x1  }
0x9f: {  	s19 =	simm.s32 $_scs_section_size  }
0xa0: {  	s5 =	simm.s32 $_size__tile_overlayer_lowered;
	s6 =	simm.s32 $_tile_overlayer_lowered  }
0xa1: {  	s22 =	simm.s32 $0x1BFF;
	s21 =	sshll.u32 s6, $0x1;
	s3 =	sadd.s32 s19, s18  }
0xa2: {  	s7 =	simm.s32 $0x0;
	s20 =	sshll.u32 s5, $0x1;
	s5 =	sadd.s32 s21, s3  }
0xa3: {  	[timem:s7], [sflag:s22] =	dma.local [hbm:s5], s20  }
0xa4: {  	_ =	swait.ge [sflag:s22], s20  }
0xa5: {  	s4 =	ssub.s32 $0x0, s20;
	[sflag:s22] =	ssyncset.done $0x0  }
0xa6: {  	[sflag:s22] =	ssyncadd.s32 s4;
	_ =	sdelay $0x1  }
0xa7: {  	s23 =	simm.s32 $0x1B8B  }
0xa8: {  	_ =	swait.ge [sflag:s23], $0x1  }
0xa9: {  	[sflag:s23] =	ssyncset.done $0x0  }
0xaa: {  	s25 =	simm.s32 $0x1B8E;
	s24 =	sld [smem:$0x3FFE];
	[sflag:s23] =	ssyncadd.s32 $0xFFFFFFFF  }
0xab: {  	s26 =	simm.s32 $execute0_lowered;
	[smem:$0x3FD2] =	sst s25  }
0xac: {  	s5 =	sshll.u32 s26, $0x1;
	_ =	strace $0x80000046;
	[dreg:$0x1] =	wrdreg $0xFFFFFFFF  }
0xad: {  	s28 =	simm.s32 $_size_execute0_lowered;
	s3 =	sadd.s32 s3, s5;
	[dreg:$0x0] =	wrdreg $0x0  }
0xae: {  	s5 =	sshll.u32 s28, $0x1;
	[dreg:$0x2] =	wrdreg s3  }
0xaf: {  	[dreg:$0x3] =	wrdreg s5  }
0xb0: {  	[dreg:$0x4] =	wrdreg $0xC0  }
0xb1: {  	_ =	task [dreg:s7], $0x5FFFF  }
0xb2: {  	[dreg:$0x1] =	wrdreg $0xFFFFFFFF  }
0xb3: {  	[dreg:$0x0] =	wrdreg $0x60  }
0xb4: {  	[dreg:$0x2] =	wrdreg s24  }
0xb5: {  	[dreg:$0x3] =	wrdreg s16  }
0xb6: {  	[dreg:$0x4] =	wrdreg $0x100000  }
0xb7: {  	[dreg:$0x5] =	wrdreg $0x9  }
0xb8: {  	_ =	task.clear_ibuf [dreg:s7], $0x6FFFF;
	_ =	strace $0x90000046  }
0xb9: {  	s29 =	simm.s32 $0x9;
	_ =	strace $0x80000048  }
0xba: {  	_ =	swait.ge [sflag:s29], $0x1  }
0xbb: {  	[sflag:s29] =	ssyncadd.s32 $0xFFFFFFFF  }
0xbc: {  	_ =	strace $0x90000048  }
0xbd: {  	_ =	sfence  }
0xbe: {  	s30 =	sld [smem:$0x0];
	_ =	sdelay $0x2  }
0xbf: {  	s31 =	sshll.u32 s1, $0xD;
	s1 =	sshrl.u32 s1, $0x2  }
0xc0: {  	s3 =	sand.u32 $0x4000, s31;
	s1 =	sadd.s32 s1, s30  }
0xc1: {  	s0 =	sor.u32 s3, s0;
	s1 =	sshll.u32 s1, $0x11  }
0xc2: {  	s0 =	sor.u32 s1, s0  }
0xc3: {  	s0 =	sadd.s32 $0x8F2B, s0  }
0xc4: {  	[sflag:s0] =	ssyncadd.remote.s32 $0x1  }
0xc5: {  	_ =	sfence.sel $0xFFFF  }
0xc6: {  	[dreg:$0x0] =	wrdreg $0xFFFFFFFF;
	(pc) =	sbr.abs _section_cstart, $3  }
0xc7: {  	[dreg:$0x1] =	wrdreg $0xFFFFFFFF  }
0xc8: {  	_ =	task.clear_ibuf [dreg:s7], $0x2FFFF;
	_ =	strace $0x9FFFFFFF  }
0xc9: {  	(tm) =	ssettm $0x7FFFFFFF  }
tec
execute0_lowered:
.L_overlay_start_1:
0x0: {  	(tag) =	ssettag $0x1  }
0x1: {  	s0 =	rddreg [dreg:$0x0]  }
0x2: {  	s5 =	rddreg [dreg:$0x1];
	s2 =	srdreg.scid  }
0x3: {  	s7 =	rddreg [dreg:$0x2];
	s1 =	stileid.u32;
	s18 =	simm.s32 $0x4800  }
0x4: {  	s19 =	simm.s32 $0x1;
	s20 =	simm.s32 $0x4000;
	s21 =	simm.s32 $0x2000  }
0x5: {  	s22 =	simm.s32 $0x9000;
	s23 =	simm.s32 $0x5000;
	s24 =	simm.s32 $0xD000  }
0x6: {  	v2 =	vimm.s32 $0x8040201;
	v1 =	vimm.s32 $0xFFFFFFFF;
	s25 =	simm.s32 $0xE000;
	s26 =	simm.s32 $0xF000;
	s28 =	simm.s32 $0x0  }
0x7: {  	v5 =	vimm.s32 $0x804020;
	s4 =	sand.u32 $0x1, s2;
	s6 =	sshrl.u32 s1, $0x2;
	s2 =	simm.s32 $0x0;
	v3 =	vunpack.c.0.s8.s32 v2;
	v2 =	vimm.s32 $0x80402010  }
0x8: {  	vm0 =	vcmask $0xF00;
	s8 =	sand.u32 $0x3, s1;
	s3 =	sshll.u32 s4, $0x2;
	[smem:$0x7FF] =	sst s2;
	v4 =	vunpack.c.0.s8.s32 v2;
	v2 =	vimm.s32 $0x10080402  }
0x9: {  	vm7 =	vcmask $0x1B10;
	v5 =	vunpack.c.0.s8.s32 v5;
	s17 =	sshll.u32 s8, $0xC;
	s12 =	sshll.u32 s4, $0x8;
	s4 =	ssub.s32 $0x2, s4;
	v6 =	vunpack.c.0.s8.s32 v2  }
0xa: {  	vm1 =	vcmask $0x1F10;
	vm8 =	vcmask $0x1F1C;
	vm9 =	vcmask $0x2320;
	s31 =	sshll.u32 s6, $0x10;
	s9 =	sor.u32 s6, s3;
	s3 =	sshll.u32 s8, $0xD  }
0xb: {  	vm10 =	vcmask $0x2724;
	_ =	strace $0x80000047;
	s12 =	sadd.s32 s12, s0;
	s13 =	sshrl.u32 s4, $0x1;
	v5 =	vand.u32 $0xFF, v5;
	v6 =	vnsel vm0, $0x10000, v6  }
0xc: {  	v3 =	vnsel vm0, $0x8000, v3;
	s8 =	sshll.u32 s8, $0xE;
	s10 =	sshll.u32 s9, $0x10;
	s11 =	sshll.u32 s9, $0xF;
	v4 =	vand.u32 $0xFF, v4;
	v5 =	vsel vm7, v5, v6  }
0xd: {  	vm11 =	vcmask $0x2B28;
	s30 =	sshll.u32 s9, $0xE;
	s15 =	ssub.s32 s4, s13;
	s9 =	sshll.u32 s9, $0x8;
	v3 =	vsel vm1, v4, v3;
	v4 =	vsel vm8, $0x100, v5  }
0xe: {  	vm12 =	vcmask $0x2F2C;
	s4 =	sadd.s32 $0x12A00, s12;
	s16 =	sor.u32 $0x8000, s3;
	s10 =	sor.u32 s3, s10;
	v3 =	vsel vm9, $0x100, v3;
	v4 =	vsel vm9, $0x200, v4  }
0xf: {  	v0 =	vmov s11;
	s11 =	sor.u32 s17, s30;
	s5 =	sadd.s32 s5, s9;
	s9 =	sadd.s32 s31, s7;
	v3 =	vsel vm10, $0x200, v3;
	v4 =	vsel vm10, $0x400, v4  }
0x10: {  	vm13 =	vcmask $0x3330;
	s15 =	smax.u32 s15, $0x1;
	s10 =	sshrl.u32 s10, $0x3;
	s11 =	sshrl.u32 s11, $0x3;
	v3 =	vsel vm11, $0x400, v3;
	v4 =	vsel vm11, $0x800, v4  }
0x11: {  	vm14 =	vcmask $0x3734;
	s8 =	sadd.s32 s8, s9;
	s9 =	sadd.s32 s17, s9;
	s10 =	sadd.s32 s10, s0;
	v3 =	vsel vm12, $0x800, v3;
	v4 =	vsel vm12, $0x1000, v4  }
0x12: {  	vm15 =	vcmask $0x3B38;
	s0 =	sadd.s32 s11, s0;
	s11 =	sadd.s32 $0x8000, s9;
	s12 =	sadd.s32 $0xC000, s9;
	v3 =	vsel vm13, $0x1000, v3;
	v4 =	vsel vm13, $0x2000, v4  }
0x13: {  	v2 =	vimm.s32 $0x0;
	s6 =	sadd.s32 $0x2A00, s10;
	s7 =	sadd.s32 $0x3A00, s10;
	s10 =	sadd.s32 $0x4000, s9;
	v5 =	vsel vm14, $0x2000, v3;
	v6 =	vsel vm14, $0x4000, v4  }
0x14: {  	s13 =	sadd.s32 $0x16C00, s0;
	s14 =	sadd.s32 $0x12C00, s0;
	s0 =	sor.u32 $0x30, s17;
	v3 =	vlaneseq.u32;
	v4 =	vsel vm15, $0x4000, v5;
	v5 =	vsel vm15, $0x8000, v6  }
.LBB2_1:
0x15: {  	[tilespmem:s18], [sflag:$0x1] =	stream.linear.gather [hbm4b:s4+s2], $0x800, $0x38;
	[tilespmem:$0x14000] =	vst v63  }
0x16: {  	_ =	swait.ge [sflag:s19], $0x800  }
0x17: {  	[sflag:s19] =	ssyncset.done $0x0  }
0x18: {  	[sflag:s19] =	ssyncadd.s32 $0xFFFFF800  }
0x19: {  	[tilespmem:s20], [sflag:$0x1] =	stream.linear.gather [hbm4b:s5+s2], $0x800, $0x38;
	[tilespmem:$0x14000] =	vst v63  }
0x1a: {  	_ =	swait.ge [sflag:s19], $0x800  }
0x1b: {  	[sflag:s19] =	ssyncset.done $0x0  }
0x1c: {  	[sflag:s19] =	ssyncadd.s32 $0xFFFFF800  }
0x1d: {  	[tilespmem:s2], [sflag:$0x1] =	stream.linear.gather [hbm4b:s6+s2], $0x2000, $0x38;
	[tilespmem:$0x14000] =	vst v63  }
0x1e: {  	_ =	swait.ge [sflag:s19], $0x2000  }
0x1f: {  	[sflag:s19] =	ssyncset.done $0x0  }
0x20: {  	[sflag:s19] =	ssyncadd.s32 $0xFFFFE000  }
0x21: {  	[tilespmem:s21], [sflag:$0x1] =	stream.linear.gather [hbm4b:s7+s2], $0x2000, $0x38;
	[tilespmem:$0x14000] =	vst v63  }
0x22: {  	_ =	swait.ge [sflag:s19], $0x2000  }
0x23: {  	[sflag:s19] =	ssyncset.done $0x0  }
0x24: {  	s17 =	simm.s32 $0x5020;
	[sflag:s19] =	ssyncadd.s32 $0xFFFFE000  }
0x25: {  	s29 =	simm.s32 $0x9020;
	[tilespmem:s17+$0xFFFFFFE0] =	vst v1  }
0x26: {  	[tilespmem:s29+$0xFFFFFFE0] =	vst v2  }
0x27: {  	[tilespmem:s17+$0xFFFFFFF0] =	vst v1  }
0x28: {  	[tilespmem:s29+$0xFFFFFFF0] =	vst v2  }
0x29: {  	[tilespmem:s17+$0x0] =	vst v1  }
0x2a: {  	[tilespmem:s29+$0x0] =	vst v2  }
0x2b: {  	[tilespmem:s17+$0x10] =	vst v1  }
0x2c: {  	s30 =	simm.s32 $0x0;
	s31 =	simm.s32 $0x5060;
	[tilespmem:s29+$0x10] =	vst v2  }
.LBB2_2:
0x2d: {  	[tilespmem:s31+$0xFFFFFFE0] =	vst v1;
	s29 =	sadd.s32 $0x40, s29  }
0x2e: {  	s30 =	sadd.s32 $0x4, s30;
	[tilespmem:s29+$0xFFFFFFE0] =	vst v2  }
0x2f: {  	p0 =	slt.u32 s30, $0x3FC;
	[tilespmem:s31+$0xFFFFFFF0] =	vst v1  }
.Ltmp0:
0x30: {  	[tilespmem:s29+$0xFFFFFFF0] =	vst v2;
	(pc) =	sbr.rel @p0 .LBB2_2-.Ltmp0, $4  }
0x31: {  	[tilespmem:s31+$0x0] =	vst v1  }
0x32: {  	[tilespmem:s29+$0x0] =	vst v2  }
0x33: {  	[tilespmem:s31+$0x10] =	vst v1  }
0x34: {  	s17 =	simm.s32 $0x0;
	s31 =	sadd.s32 $0x40, s31;
	[tilespmem:s29+$0x10] =	vst v2  }
0x35: {  	s29 =	smov.u32 s3;
	s30 =	simm.s32 $0x0  }
.LBB2_4:
0x36: {  	s31 =	sshra.s32 s30, $0x2  }
0x37: {  	v6 =	vld [tilespmem:s31+$0x0]  }
0x38: {  	v7 =	vld [tilespmem:s31+$0x2000];
	_ =	sdelay $0x6  }
0x39: {  	v8 =	vld.idx.msk [tilespmem:v6+s20+$0x0], $0xffff  }
0x3a: {  	v9 =	vld.idx.msk [tilespmem:v7+s20+$0x0], $0xffff  }
0x3b: {  	v6 =	vld.idx.msk [tilespmem:v6+s18+$0x0], $0xffff  }
0x3c: {  	v7 =	vld.idx.msk [tilespmem:v7+s18+$0x0], $0xffff;
	_ =	sdelay $0x2  }
0x3d: {  	vm0 =	vgt.f32 v8, $5.000000000e-01;
	vm1 =	vgt.f32 v9, $5.000000000e-01  }
0x3e: {  	v6 =	vshll.u32 v6, $0x7;
	vm0 =	vmand vm0, vm1  }
0x3f: {  	v6 =	vadd.s32 v7, v6;
	_ =	sdelay $0x4  }
0x40: {  	[tilespmem:v6+s22+$0x0] =	vst.idx.add.s32.msk vm0, v4  }
0x41: {  	v7 =	vld.idx.msk [tilespmem:v6+s22+$0x0], $0xffff;
	_ =	sdelay $0x4  }
0x42: {  	vm15 =	vlt.u32 v7, v5  }
0x43: {  	vm1 =	vmand vm0, vm15  }
0x44: {  	p0 =	sne.s32 s30, $0x7FC0  }
.Ltmp1:
0x45: {  	_ = 	snop;
	(pc) =	sbr.rel @p0 .LBB2_4-.Ltmp1, $3  }
0x46: {  	_ =	sdelay $0x1  }
0x47: {  	[tilespmem:v6+s22+$0x0] =	vst.idx.msk vm0, v2;
	v7 =	vor.u32 s29, v3  }
0x48: {  	s30 =	sadd.s32 $0x40, s30;
	s29 =	sadd.s32 $0x10, s29;
	[tilespmem:v6+s23+$0x0] =	vst.idx.msk vm1, v7  }
0x49: {  	s29 =	smov.u32 s16  }
.LBB2_6:
0x4a: {  	s30 =	sshra.s32 s17, $0x2  }
0x4b: {  	v6 =	vld [tilespmem:s30+$0x0]  }
0x4c: {  	v7 =	vld [tilespmem:s30+$0x2000];
	_ =	sdelay $0x6  }
0x4d: {  	v8 =	vld.idx.msk [tilespmem:v6+s20+$0x0], $0xffff  }
0x4e: {  	v9 =	vld.idx.msk [tilespmem:v7+s20+$0x0], $0xffff  }
0x4f: {  	v7 =	vld.idx.msk [tilespmem:v7+s18+$0x0], $0xffff  }
0x50: {  	v6 =	vld.idx.msk [tilespmem:v6+s18+$0x0], $0xffff;
	_ =	sdelay $0x2  }
0x51: {  	vm0 =	vgt.f32 v8, $5.000000000e-01;
	vm1 =	vgt.f32 v9, $5.000000000e-01  }
0x52: {  	v7 =	vshll.u32 v7, $0x7;
	vm0 =	vmand vm0, vm1  }
0x53: {  	v6 =	vadd.s32 v6, v7;
	_ =	sdelay $0x4  }
0x54: {  	[tilespmem:v6+s22+$0x0] =	vst.idx.add.s32.msk vm0, v4  }
0x55: {  	v7 =	vld.idx.msk [tilespmem:v6+s22+$0x0], $0xffff;
	_ =	sdelay $0x4  }
0x56: {  	vm15 =	vlt.u32 v7, v5  }
0x57: {  	vm1 =	vmand vm0, vm15  }
0x58: {  	p0 =	sne.s32 s17, $0x7FC0  }
.Ltmp2:
0x59: {  	_ = 	snop;
	(pc) =	sbr.rel @p0 .LBB2_6-.Ltmp2, $3  }
0x5a: {  	_ =	sdelay $0x1  }
0x5b: {  	[tilespmem:v6+s22+$0x0] =	vst.idx.msk vm0, v2;
	v7 =	vor.u32 s29, v3  }
0x5c: {  	s17 =	sadd.s32 $0x40, s17;
	s29 =	sadd.s32 $0x10, s29;
	[tilespmem:v6+s23+$0x0] =	vst.idx.msk vm1, v7  }
0x5d: {  	[spmem:s8] =	stream.linear.scatter [tilespmem:s23], [sflag:$0x1], $0x4000, $0x38;
	[tilespmem:$0x14000] =	vst v63  }
0x5e: {  	_ =	swait.ge [sflag:s19], $0x4000  }
0x5f: {  	[sflag:s19] =	ssyncset.done $0x0  }
0x60: {  	[sflag:s19] =	ssyncadd.s32 $0xFFFFC000  }
0x61: {  	[bflag:$0x0] =	sbarrier.arrive $0xFFFF  }
0x62: {  	[tilespmem:s24], [sflag:$0x1] =	stream.linear.gather [spmem:s9], $0x1000, $0x38;
	[tilespmem:$0x14000] =	vst v63  }
0x63: {  	_ =	swait.ge [sflag:s19], $0x1000  }
0x64: {  	[sflag:s19] =	ssyncset.done $0x0  }
0x65: {  	[sflag:s19] =	ssyncadd.s32 $0xFFFFF000  }
0x66: {  	[tilespmem:s25], [sflag:$0x1] =	stream.linear.gather [spmem:s10], $0x1000, $0x38;
	[tilespmem:$0x14000] =	vst v63  }
0x67: {  	_ =	swait.ge [sflag:s19], $0x1000  }
0x68: {  	[sflag:s19] =	ssyncset.done $0x0  }
0x69: {  	s17 =	simm.s32 $0xD020;
	[sflag:s19] =	ssyncadd.s32 $0xFFFFF000  }
0x6a: {  	s29 =	simm.s32 $0xE020;
	v6 =	vld [tilespmem:s17+$0xFFFFFFE0]  }
0x6b: {  	v7 =	vld [tilespmem:s29+$0xFFFFFFE0];
	_ =	sdelay $0x4  }
0x6c: {  	vm0 =	vgt.s32 v6, v7  }
0x6d: {  	v6 =	vsel vm0, v6, v7  }
0x6e: {  	[tilespmem:s17+$0xFFFFFFE0] =	vst v6;
	v6 =	vld [tilespmem:s17+$0xFFFFFFF0]  }
0x6f: {  	v7 =	vld [tilespmem:s29+$0xFFFFFFF0];
	_ =	sdelay $0x4  }
0x70: {  	vm13 =	vgt.s32 v6, v7  }
0x71: {  	v6 =	vsel vm13, v6, v7  }
0x72: {  	[tilespmem:s17+$0xFFFFFFF0] =	vst v6;
	v6 =	vld [tilespmem:s17+$0x0]  }
0x73: {  	v7 =	vld [tilespmem:s29+$0x0];
	_ =	sdelay $0x4  }
0x74: {  	vm14 =	vgt.s32 v6, v7  }
0x75: {  	v6 =	vsel vm14, v6, v7  }
0x76: {  	[tilespmem:s17+$0x0] =	vst v6;
	v6 =	vld [tilespmem:s17+$0x10]  }
0x77: {  	v7 =	vld [tilespmem:s29+$0x10];
	_ =	sdelay $0x4  }
0x78: {  	vm15 =	vgt.s32 v6, v7  }
0x79: {  	s30 =	simm.s32 $0x0;
	s31 =	simm.s32 $0xD060;
	v6 =	vsel vm15, v6, v7  }
.LBB2_8:
0x7a: {  	v7 =	vld [tilespmem:s31+$0xFFFFFFE0];
	[tilespmem:s17+$0x10] =	vst v6;
	s29 =	sadd.s32 $0x40, s29;
	s17 =	smov.u32 s31  }
0x7b: {  	s30 =	sadd.s32 $0x4, s30;
	v6 =	vld [tilespmem:s29+$0xFFFFFFE0]  }
0x7c: {  	p0 =	slt.u32 s30, $0xFC;
	_ =	sdelay $0x3  }
0x7d: {  	vm0 =	vgt.s32 v7, v6  }
0x7e: {  	v6 =	vsel vm0, v7, v6  }
0x7f: {  	[tilespmem:s31+$0xFFFFFFE0] =	vst v6;
	v6 =	vld [tilespmem:s31+$0xFFFFFFF0]  }
0x80: {  	v7 =	vld [tilespmem:s29+$0xFFFFFFF0];
	_ =	sdelay $0x4  }
0x81: {  	vm0 =	vgt.s32 v6, v7  }
0x82: {  	v6 =	vsel vm0, v6, v7  }
0x83: {  	[tilespmem:s31+$0xFFFFFFF0] =	vst v6;
	v6 =	vld [tilespmem:s31+$0x0]  }
0x84: {  	v7 =	vld [tilespmem:s29+$0x0];
	_ =	sdelay $0x4  }
0x85: {  	vm0 =	vgt.s32 v6, v7  }
0x86: {  	v6 =	vsel vm0, v6, v7  }
0x87: {  	[tilespmem:s31+$0x0] =	vst v6;
	v6 =	vld [tilespmem:s31+$0x10]  }
0x88: {  	v7 =	vld [tilespmem:s29+$0x10];
	_ =	sdelay $0x1  }
.Ltmp3:
0x89: {  	(pc) =	sbr.rel @p0 .LBB2_8-.Ltmp3, $3  }
0x8a: {  	_ =	sdelay $0x1  }
0x8b: {  	vm0 =	vgt.s32 v6, v7  }
0x8c: {  	s31 =	sadd.s32 $0x40, s31;
	v6 =	vsel vm0, v6, v7  }
0x8d: {  	[tilespmem:s17+$0x10] =	vst v6  }
0x8e: {  	[tilespmem:s25], [sflag:$0x1] =	stream.linear.gather [spmem:s11], $0x1000, $0x38;
	[tilespmem:$0x14000] =	vst v63  }
0x8f: {  	_ =	swait.ge [sflag:s19], $0x1000  }
0x90: {  	[sflag:s19] =	ssyncset.done $0x0  }
0x91: {  	s17 =	simm.s32 $0xD020;
	[sflag:s19] =	ssyncadd.s32 $0xFFFFF000  }
0x92: {  	s29 =	simm.s32 $0xE020;
	v6 =	vld [tilespmem:s17+$0xFFFFFFE0]  }
0x93: {  	v7 =	vld [tilespmem:s29+$0xFFFFFFE0];
	_ =	sdelay $0x4  }
0x94: {  	vm0 =	vgt.s32 v6, v7  }
0x95: {  	v6 =	vsel vm0, v6, v7  }
0x96: {  	[tilespmem:s17+$0xFFFFFFE0] =	vst v6;
	v6 =	vld [tilespmem:s17+$0xFFFFFFF0]  }
0x97: {  	v7 =	vld [tilespmem:s29+$0xFFFFFFF0];
	_ =	sdelay $0x4  }
0x98: {  	vm13 =	vgt.s32 v6, v7  }
0x99: {  	v6 =	vsel vm13, v6, v7  }
0x9a: {  	[tilespmem:s17+$0xFFFFFFF0] =	vst v6;
	v6 =	vld [tilespmem:s17+$0x0]  }
0x9b: {  	v7 =	vld [tilespmem:s29+$0x0];
	_ =	sdelay $0x4  }
0x9c: {  	vm14 =	vgt.s32 v6, v7  }
0x9d: {  	v6 =	vsel vm14, v6, v7  }
0x9e: {  	[tilespmem:s17+$0x0] =	vst v6;
	v6 =	vld [tilespmem:s17+$0x10]  }
0x9f: {  	v7 =	vld [tilespmem:s29+$0x10];
	_ =	sdelay $0x4  }
0xa0: {  	vm15 =	vgt.s32 v6, v7  }
0xa1: {  	s30 =	simm.s32 $0x0;
	s31 =	simm.s32 $0xD060;
	v6 =	vsel vm15, v6, v7  }
.LBB2_10:
0xa2: {  	v7 =	vld [tilespmem:s31+$0xFFFFFFE0];
	[tilespmem:s17+$0x10] =	vst v6;
	s29 =	sadd.s32 $0x40, s29;
	s17 =	smov.u32 s31  }
0xa3: {  	s30 =	sadd.s32 $0x4, s30;
	v6 =	vld [tilespmem:s29+$0xFFFFFFE0]  }
0xa4: {  	p0 =	slt.u32 s30, $0xFC;
	_ =	sdelay $0x3  }
0xa5: {  	vm0 =	vgt.s32 v7, v6  }
0xa6: {  	v6 =	vsel vm0, v7, v6  }
0xa7: {  	[tilespmem:s31+$0xFFFFFFE0] =	vst v6;
	v6 =	vld [tilespmem:s31+$0xFFFFFFF0]  }
0xa8: {  	v7 =	vld [tilespmem:s29+$0xFFFFFFF0];
	_ =	sdelay $0x4  }
0xa9: {  	vm0 =	vgt.s32 v6, v7  }
0xaa: {  	v6 =	vsel vm0, v6, v7  }
0xab: {  	[tilespmem:s31+$0xFFFFFFF0] =	vst v6;
	v6 =	vld [tilespmem:s31+$0x0]  }
0xac: {  	v7 =	vld [tilespmem:s29+$0x0];
	_ =	sdelay $0x4  }
0xad: {  	vm0 =	vgt.s32 v6, v7  }
0xae: {  	v6 =	vsel vm0, v6, v7  }
0xaf: {  	[tilespmem:s31+$0x0] =	vst v6;
	v6 =	vld [tilespmem:s31+$0x10]  }
0xb0: {  	v7 =	vld [tilespmem:s29+$0x10];
	_ =	sdelay $0x1  }
.Ltmp4:
0xb1: {  	(pc) =	sbr.rel @p0 .LBB2_10-.Ltmp4, $3  }
0xb2: {  	_ =	sdelay $0x1  }
0xb3: {  	vm0 =	vgt.s32 v6, v7  }
0xb4: {  	s31 =	sadd.s32 $0x40, s31;
	v6 =	vsel vm0, v6, v7  }
0xb5: {  	[tilespmem:s17+$0x10] =	vst v6  }
0xb6: {  	[tilespmem:s25], [sflag:$0x1] =	stream.linear.gather [spmem:s12], $0x1000, $0x38;
	[tilespmem:$0x14000] =	vst v63  }
0xb7: {  	_ =	swait.ge [sflag:s19], $0x1000  }
0xb8: {  	[sflag:s19] =	ssyncset.done $0x0  }
0xb9: {  	s17 =	simm.s32 $0xD020;
	[sflag:s19] =	ssyncadd.s32 $0xFFFFF000  }
0xba: {  	s29 =	simm.s32 $0xE020;
	v6 =	vld [tilespmem:s17+$0xFFFFFFE0]  }
0xbb: {  	v7 =	vld [tilespmem:s29+$0xFFFFFFE0];
	_ =	sdelay $0x4  }
0xbc: {  	vm0 =	vgt.s32 v6, v7  }
0xbd: {  	v6 =	vsel vm0, v6, v7  }
0xbe: {  	[tilespmem:s17+$0xFFFFFFE0] =	vst v6;
	v6 =	vld [tilespmem:s17+$0xFFFFFFF0]  }
0xbf: {  	v7 =	vld [tilespmem:s29+$0xFFFFFFF0];
	_ =	sdelay $0x4  }
0xc0: {  	vm13 =	vgt.s32 v6, v7  }
0xc1: {  	v6 =	vsel vm13, v6, v7  }
0xc2: {  	[tilespmem:s17+$0xFFFFFFF0] =	vst v6;
	v6 =	vld [tilespmem:s17+$0x0]  }
0xc3: {  	v7 =	vld [tilespmem:s29+$0x0];
	_ =	sdelay $0x4  }
0xc4: {  	vm14 =	vgt.s32 v6, v7  }
0xc5: {  	v6 =	vsel vm14, v6, v7  }
0xc6: {  	[tilespmem:s17+$0x0] =	vst v6;
	v6 =	vld [tilespmem:s17+$0x10]  }
0xc7: {  	v7 =	vld [tilespmem:s29+$0x10];
	_ =	sdelay $0x4  }
0xc8: {  	vm15 =	vgt.s32 v6, v7  }
0xc9: {  	s30 =	simm.s32 $0x0;
	s31 =	simm.s32 $0xD060;
	v6 =	vsel vm15, v6, v7  }
.LBB2_12:
0xca: {  	v7 =	vld [tilespmem:s31+$0xFFFFFFE0];
	[tilespmem:s17+$0x10] =	vst v6;
	s29 =	sadd.s32 $0x40, s29;
	s17 =	smov.u32 s31  }
0xcb: {  	s30 =	sadd.s32 $0x4, s30;
	v6 =	vld [tilespmem:s29+$0xFFFFFFE0]  }
0xcc: {  	p0 =	slt.u32 s30, $0xFC;
	_ =	sdelay $0x3  }
0xcd: {  	vm0 =	vgt.s32 v7, v6  }
0xce: {  	v6 =	vsel vm0, v7, v6  }
0xcf: {  	[tilespmem:s31+$0xFFFFFFE0] =	vst v6;
	v6 =	vld [tilespmem:s31+$0xFFFFFFF0]  }
0xd0: {  	v7 =	vld [tilespmem:s29+$0xFFFFFFF0];
	_ =	sdelay $0x4  }
0xd1: {  	vm0 =	vgt.s32 v6, v7  }
0xd2: {  	v6 =	vsel vm0, v6, v7  }
0xd3: {  	[tilespmem:s31+$0xFFFFFFF0] =	vst v6;
	v6 =	vld [tilespmem:s31+$0x0]  }
0xd4: {  	v7 =	vld [tilespmem:s29+$0x0];
	_ =	sdelay $0x4  }
0xd5: {  	vm0 =	vgt.s32 v6, v7  }
0xd6: {  	v6 =	vsel vm0, v6, v7  }
0xd7: {  	[tilespmem:s31+$0x0] =	vst v6;
	v6 =	vld [tilespmem:s31+$0x10]  }
0xd8: {  	v7 =	vld [tilespmem:s29+$0x10];
	_ =	sdelay $0x1  }
.Ltmp5:
0xd9: {  	(pc) =	sbr.rel @p0 .LBB2_12-.Ltmp5, $3  }
0xda: {  	_ =	sdelay $0x1  }
0xdb: {  	vm0 =	vgt.s32 v6, v7  }
0xdc: {  	s31 =	sadd.s32 $0x40, s31;
	v6 =	vsel vm0, v6, v7  }
0xdd: {  	[tilespmem:s17+$0x10] =	vst v6  }
0xde: {  	[hbm4b:s13+s2] =	stream.linear.scatter [tilespmem:s24], [sflag:$0x1], $0x1000, $0x38;
	[tilespmem:$0x14000] =	vst v63  }
0xdf: {  	_ =	swait.ge [sflag:s19], $0x1000  }
0xe0: {  	[sflag:s19] =	ssyncset.done $0x0  }
0xe1: {  	s1 =	simm.s32 $0xD020;
	[sflag:s19] =	ssyncadd.s32 $0xFFFFF000  }
0xe2: {  	v6 =	vld [tilespmem:s1+$0xFFFFFFE0];
	_ =	sdelay $0x4  }
0xe3: {  	s29 =	sadd.s32 $0xFFFFFFD0, s0;
	vm0 =	vgt.s32 v6, $0x7FFF;
	v7 =	vadd.s32 $0xFFFF8000, v6  }
0xe4: {  	v8 =	vor.u32 s29, v3;
	vm9 =	vlt.s32 v6, $0x0;
	v7 =	vsel vm0, v7, v6  }
0xe5: {  	v6 =	vsel vm9, v8, v7  }
0xe6: {  	s29 =	simm.s32 $0xF020;
	v6 =	vadd.s32 v0, v6  }
0xe7: {  	[tilespmem:s29+$0xFFFFFFE0] =	vst v6  }
0xe8: {  	v6 =	vld [tilespmem:s1+$0xFFFFFFF0];
	_ =	sdelay $0x4  }
0xe9: {  	s30 =	sadd.s32 $0xFFFFFFE0, s0;
	vm10 =	vgt.s32 v6, $0x7FFF;
	v7 =	vadd.s32 $0xFFFF8000, v6  }
0xea: {  	v61 =	vor.u32 s30, v3;
	vm11 =	vlt.s32 v6, $0x0;
	v7 =	vsel vm10, v7, v6  }
0xeb: {  	v6 =	vsel vm11, v61, v7  }
0xec: {  	v6 =	vadd.s32 v0, v6  }
0xed: {  	[tilespmem:s29+$0xFFFFFFF0] =	vst v6  }
0xee: {  	v6 =	vld [tilespmem:s1+$0x0];
	_ =	sdelay $0x4  }
0xef: {  	s30 =	sadd.s32 $0xFFFFFFF0, s0;
	vm12 =	vgt.s32 v6, $0x7FFF;
	v7 =	vadd.s32 $0xFFFF8000, v6  }
0xf0: {  	v62 =	vor.u32 s30, v3;
	vm13 =	vlt.s32 v6, $0x0;
	v7 =	vsel vm12, v7, v6  }
0xf1: {  	v6 =	vsel vm13, v62, v7  }
0xf2: {  	v6 =	vadd.s32 v0, v6  }
0xf3: {  	[tilespmem:s29+$0x0] =	vst v6  }
0xf4: {  	v6 =	vld [tilespmem:s1+$0x10];
	_ =	sdelay $0x4  }
0xf5: {  	vm14 =	vgt.s32 v6, $0x7FFF;
	v7 =	vadd.s32 $0xFFFF8000, v6  }
0xf6: {  	v63 =	vor.u32 s0, v3;
	vm15 =	vlt.s32 v6, $0x0;
	v7 =	vsel vm14, v7, v6  }
0xf7: {  	v6 =	vsel vm15, v63, v7  }
0xf8: {  	v6 =	vadd.s32 v0, v6  }
0xf9: {  	s31 =	simm.s32 $0xD060;
	s17 =	smov.u32 s0;
	s30 =	simm.s32 $0x0;
	[tilespmem:s29+$0x10] =	vst v6  }
.LBB2_14:
0xfa: {  	v6 =	vld [tilespmem:s31+$0xFFFFFFE0];
	s30 =	sadd.s32 $0x4, s30  }
0xfb: {  	p0 =	slt.u32 s30, $0xFC;
	_ =	sdelay $0x2  }
0xfc: {  	s17 =	sadd.s32 $0x40, s17  }
0xfd: {  	s1 =	sadd.s32 $0xFFFFFFD0, s17;
	vm0 =	vgt.s32 v6, $0x7FFF;
	v7 =	vadd.s32 $0xFFFF8000, v6  }
0xfe: {  	v8 =	vor.u32 s1, v3;
	v7 =	vsel vm0, v7, v6;
	vm0 =	vlt.s32 v6, $0x0  }
0xff: {  	v6 =	vsel vm0, v8, v7  }
0x100: {  	s29 =	sadd.s32 $0x40, s29;
	v6 =	vadd.s32 v0, v6  }
0x101: {  	[tilespmem:s29+$0xFFFFFFE0] =	vst v6  }
0x102: {  	v6 =	vld [tilespmem:s31+$0xFFFFFFF0];
	_ =	sdelay $0x4  }
0x103: {  	s1 =	sadd.s32 $0xFFFFFFE0, s17;
	vm0 =	vgt.s32 v6, $0x7FFF;
	v7 =	vadd.s32 $0xFFFF8000, v6  }
0x104: {  	v8 =	vor.u32 s1, v3;
	v7 =	vsel vm0, v7, v6;
	vm0 =	vlt.s32 v6, $0x0  }
0x105: {  	v6 =	vsel vm0, v8, v7  }
0x106: {  	v6 =	vadd.s32 v0, v6  }
0x107: {  	[tilespmem:s29+$0xFFFFFFF0] =	vst v6  }
0x108: {  	v6 =	vld [tilespmem:s31+$0x0];
	_ =	sdelay $0x4  }
0x109: {  	s1 =	sadd.s32 $0xFFFFFFF0, s17;
	vm0 =	vgt.s32 v6, $0x7FFF;
	v7 =	vadd.s32 $0xFFFF8000, v6  }
0x10a: {  	v8 =	vor.u32 s1, v3;
	v7 =	vsel vm0, v7, v6;
	vm0 =	vlt.s32 v6, $0x0  }
0x10b: {  	v6 =	vsel vm0, v8, v7  }
0x10c: {  	v6 =	vadd.s32 v0, v6  }
0x10d: {  	[tilespmem:s29+$0x0] =	vst v6  }
0x10e: {  	v6 =	vld [tilespmem:s31+$0x10];
	_ =	sdelay $0x4  }
.Ltmp6:
0x10f: {  	vm0 =	vgt.s32 v6, $0x7FFF;
	v7 =	vadd.s32 $0xFFFF8000, v6;
	(pc) =	sbr.rel @p0 .LBB2_14-.Ltmp6, $4  }
0x110: {  	v8 =	vor.u32 s17, v3;
	v7 =	vsel vm0, v7, v6;
	vm0 =	vlt.s32 v6, $0x0  }
0x111: {  	v6 =	vsel vm0, v8, v7  }
0x112: {  	v6 =	vadd.s32 v0, v6  }
0x113: {  	s31 =	sadd.s32 $0x40, s31;
	[tilespmem:s29+$0x10] =	vst v6  }
0x114: {  	s28 =	sadd.s32 $0x1, s28  }
0x115: {  	p0 =	sne.s32 s28, s15  }
.Ltmp7:
0x116: {  	_ = 	snop;
	(pc) =	sbr.rel @p0 .LBB2_1-.Ltmp7, $4  }
0x117: {  	[hbm4b:s14+s2] =	stream.linear.scatter [tilespmem:s26], [sflag:$0x1], $0x1000, $0x38;
	[tilespmem:$0x14000] =	vst v63  }
0x118: {  	_ =	swait.ge [sflag:s19], $0x1000  }
0x119: {  	[sflag:s19] =	ssyncset.done $0x0  }
0x11a: {  	[sflag:s19] =	ssyncadd.s32 $0xFFFFF000  }
0x11b: {  	_ =	sfence.sel $0x180000  }
0x11c: {  	[bflag:$0x0] =	sbarrier.arrive $0xFFFF  }
0x11d: {  	_ =	strace $0x90000047  }
0x11e: {  	s0 =	stileid.u32;
	[bflag:$0x2] =	sbarrier.arrive $0xFFFF  }
0x11f: {  	p0 =	sne.s32 s0, $0x0;
	s0 =	rddreg [dreg:$0x3]  }
0x120: {  	s0 =	sadd.s32 @!p0 $0x100000, s0  }
0x121: {  	[sflag:s0] =	ssyncadd.tile.s32 @!p0 $0x1;
	_ =	shalt  }
.Lfunc_end2:
_tile_overlayer_lowered:
.L_overlay_start_2:
0x122: {  	(tag) =	ssettag $0x2  }
0x123: {  	s0 =	rddreg [dreg:$0x0];
	s2 =	stileid.u32  }
0x124: {  	s1 =	rddreg [dreg:$0x1];
	p0 =	sne.s32 s2, $0x0  }
0x125: {  	s3 =	rddreg [dreg:$0x2];
	[bflag:$0x3] =	sbarrier.arrive $0xFFFF;
	s2 =	simm.s32 @!p0 $0x1C01  }
0x126: {  	[timem:s3], [sflag:s2] =	dma.local @!p0 [hbm:s0], s1  }
0x127: {  	s0 =	simm.s32 @!p0 $0x1  }
0x128: {  	_ =	swait.ge @!p0 [sflag:s0], s1  }
0x129: {  	s1 =	ssub.s32 @!p0 $0x0, s1;
	[sflag:s0] =	ssyncset.done @!p0 $0x0  }
0x12a: {  	[sflag:s0] =	ssyncadd.s32 @!p0 s1  }
0x12b: {  	[bflag:$0x3] =	sbarrier.arrive $0xFFFF  }
0x12c: {  	_ =	shalt  }

// kernel: kernel.9.cloned.1.call-start
scs
__scs_entry_jumppad:
0x0: {  	(pc) =	sbr.rel $0x88, $3  }
0x1: {  	(tag) =	ssettag $0x0;
	lr =	simm.s32 $0x1  }
0x2: {  	[smem:$0x3F95] =	sst lr;
	_ =	strace $0xD0000000  }
0x3: {  	_ = 	snop  }
0x4: {  	_ = 	snop  }
0x5: {  	_ = 	snop  }
0x6: {  	_ = 	snop  }
0x7: {  	_ = 	snop  }
__scs_overlays_trampoline_lowered:
0x8: {  	[smem:$0x3FA4] =	sst s0  }
0x9: {  	[smem:$0x3FA5] =	sst s1  }
0xa: {  	[smem:$0x3FA6] =	sst s2  }
0xb: {  	[smem:$0x3FA7] =	sst s3  }
0xc: {  	[smem:$0x3FA8] =	sst s4  }
0xd: {  	[smem:$0x3FA9] =	sst s5  }
0xe: {  	[smem:$0x3FAA] =	sst s6  }
0xf: {  	[smem:$0x3FAB] =	sst s7  }
0x10: {  	[smem:$0x3FAC] =	sst s8  }
0x11: {  	[smem:$0x3FAD] =	sst s9;
	s0 =	simm.s32 @!p0 $0x0  }
0x12: {  	s1 =	sld [smem:$0x3F93];
	s0 =	simm.s32 @p0 $0x1  }
0x13: {  	[smem:$0x3FAE] =	sst s0;
	s0 =	simm.s32 @!p1 $0x0  }
0x14: {  	s2 =	sld [smem:$0x3F92];
	s0 =	simm.s32 @p1 $0x1  }
0x15: {  	[smem:$0x3FAF] =	sst s0;
	s0 =	simm.s32 @!p2 $0x0  }
0x16: {  	s3 =	sld [smem:$0x3FDB];
	s0 =	simm.s32 @p2 $0x1  }
0x17: {  	s4 =	simm.s32 $0x1BF5;
	[smem:$0x3FB1] =	sst s0  }
0x18: {  	s0 =	sld [smem:$0x3F94];
	_ =	swait.ge [sflag:s4], $0x0  }
0x19: {  	s7 =	sld [smem:$0x3F95]  }
0x1a: {  	s8 =	sadd.s32 $0xFFFFE003, lr  }
0x1b: {  	s9 =	sadd.s32 $0xFFFFFEF7, lr;
	s5 =	simm.s32 $0xFFFFFFFF;
	p2 =	slt.u32 s8, $0xFFFFF086  }
0x1c: {  	p1 =	slt.u32 s9, $0xF7A;
	s5 =	simm.s32 @!p2 $0x0  }
0x1d: {  	s5 =	simm.s32 @p1 $0x1;
	p0 =	seq.s32 s7, s2  }
0x1e: {  	s7 =	smul.u32 @!p0 $0xF7A, s2;
	p2 =	seq.s32 @!p0 s5, $0x0  }
0x1f: {  	s9 =	smul.u32 $0xF7A, s1;
	s8 =	simm.s32 @!p0 $0x1BF5;
	p2 =	por !p2, p0  }
0x20: {  	[sflag:s8] =	ssyncset.s32 @!p0 $0xFFFFF086;
	s6 =	sadd.s32 @!p0 s3, s7;
	s7 =	simm.s32 @!p0 $0x108  }
0x21: {  	s3 =	sadd.s32 s3, s9;
	s6 =	sadd.s32 @!p0 $0x88, s6;
	s7 =	simm.s32 @p2 $0x1082  }
0x22: {  	[simem:s7], [sflag:s8] =	dma.local @!p0 [hbm:s6], $0xF7A  }
0x23: {  	s9 =	sor.u32 $0xD0000000, s2;
	s6 =	simm.s32 $0x108;
	_ =	swait.ge @!p0 [sflag:s8], $0x0  }
0x24: {  	s3 =	sadd.s32 $0x88, s3;
	s6 =	simm.s32 @!p1 $0x1082;
	[sflag:s4] =	ssyncset.s32 $0xFFFFF086  }
0x25: {  	[simem:s6], [sflag:s4] =	dma.local [hbm:s3], $0xF7A  }
0x26: {  	[smem:$0x3F95] =	sst s1;
	(tag) =	ssettag s2;
	_ =	strace s9  }
0x27: {  	s1 =	sld [smem:$0x3FA5]  }
0x28: {  	s2 =	sld [smem:$0x3FA6]  }
0x29: {  	s4 =	sld [smem:$0x3FA8]  }
0x2a: {  	p0 =	seq.s32 s5, $0x0;
	s5 =	sld [smem:$0x3FA9]  }
0x2b: {  	s6 =	sld [smem:$0x3FAA]  }
0x2c: {  	s7 =	sld [smem:$0x3FAB]  }
0x2d: {  	s3 =	simm.s32 $0x108;
	s8 =	sld [smem:$0x3FAC]  }
0x2e: {  	s3 =	simm.s32 @!p0 $0x1082;
	s9 =	sld [smem:$0x3FAD]  }
0x2f: {  	lr =	sadd.s32 s0, s3;
	s0 =	sld [smem:$0x3FA4]  }
0x30: {  	s3 =	sld [smem:$0x3FA7]  }
0x31: {  	[smem:$0x3FB0] =	sst s10  }
0x32: {  	s10 =	sld [smem:$0x3FAE];
	_ =	sdelay $0x3  }
0x33: {  	p0 =	seq.s32 s10, $0x1;
	s10 =	sld [smem:$0x3FB0];
	_ =	sdelay $0x3  }
0x34: {  	[smem:$0x3FB0] =	sst s10  }
0x35: {  	s10 =	sld [smem:$0x3FAF];
	_ =	sdelay $0x3  }
0x36: {  	p1 =	seq.s32 s10, $0x1;
	s10 =	sld [smem:$0x3FB0];
	_ =	sdelay $0x3  }
0x37: {  	[smem:$0x3FB0] =	sst s10  }
0x38: {  	s10 =	sld [smem:$0x3FB1]  }
0x39: {  	_ = 	snop;
	(pc) =	sbr.ind lr, $3  }
0x3a: {  	_ = 	snop  }
0x3b: {  	_ = 	snop  }
0x3c: {  	p2 =	seq.s32 s10, $0x1;
	s10 =	sld [smem:$0x3FB0]  }
0x3d: {  	_ =	shalt  }
0x3e: {  	_ =	shalt  }
0x3f: {  	_ =	shalt  }
0x40: {  	_ =	shalt  }
0x41: {  	_ =	shalt  }
0x42: {  	_ =	shalt  }
0x43: {  	_ =	shalt  }
0x44: {  	_ =	shalt  }
0x45: {  	_ =	shalt  }
0x46: {  	_ =	shalt  }
0x47: {  	_ =	shalt  }
0x48: {  	_ =	shalt  }
0x49: {  	_ =	shalt  }
0x4a: {  	_ =	shalt  }
0x4b: {  	_ =	shalt  }
0x4c: {  	_ =	shalt  }
0x4d: {  	_ =	shalt  }
0x4e: {  	_ =	shalt  }
0x4f: {  	_ =	shalt  }
0x50: {  	_ =	shalt  }
0x51: {  	_ =	shalt  }
0x52: {  	_ =	shalt  }
0x53: {  	_ =	shalt  }
0x54: {  	_ =	shalt  }
0x55: {  	_ =	shalt  }
0x56: {  	_ =	shalt  }
0x57: {  	_ =	shalt  }
0x58: {  	_ =	shalt  }
0x59: {  	_ =	shalt  }
0x5a: {  	_ =	shalt  }
0x5b: {  	_ =	shalt  }
0x5c: {  	_ =	shalt  }
0x5d: {  	_ =	shalt  }
0x5e: {  	_ =	shalt  }
0x5f: {  	_ =	shalt  }
0x60: {  	_ =	shalt  }
0x61: {  	_ =	shalt  }
0x62: {  	_ =	shalt  }
0x63: {  	_ =	shalt  }
0x64: {  	_ =	shalt  }
0x65: {  	_ =	shalt  }
0x66: {  	_ =	shalt  }
0x67: {  	_ =	shalt  }
0x68: {  	_ =	shalt  }
0x69: {  	_ =	shalt  }
0x6a: {  	_ =	shalt  }
0x6b: {  	_ =	shalt  }
0x6c: {  	_ =	shalt  }
0x6d: {  	_ =	shalt  }
0x6e: {  	_ =	shalt  }
0x6f: {  	_ =	shalt  }
0x70: {  	_ =	shalt  }
0x71: {  	_ =	shalt  }
0x72: {  	_ =	shalt  }
0x73: {  	_ =	shalt  }
0x74: {  	_ =	shalt  }
0x75: {  	_ =	shalt  }
0x76: {  	_ =	shalt  }
0x77: {  	_ =	shalt  }
0x78: {  	_ =	shalt  }
0x79: {  	_ =	shalt  }
0x7a: {  	_ =	shalt  }
0x7b: {  	_ =	shalt  }
0x7c: {  	_ =	shalt  }
0x7d: {  	_ =	shalt  }
0x7e: {  	_ =	shalt  }
0x7f: {  	_ =	shalt  }
0x80: {  	_ =	shalt  }
0x81: {  	_ =	shalt  }
0x82: {  	_ =	shalt  }
0x83: {  	_ =	shalt  }
0x84: {  	_ =	shalt  }
0x85: {  	_ =	shalt  }
0x86: {  	_ =	shalt  }
0x87: {  	_ =	shalt  }
.Lfunc_end0:
.L_simem_size_0:
called_computation.1_lowered:
.L_overlay_start_0:
0x88: {  	s2 =	sld [smem:$0x3FD9]  }
0x89: {  	s3 =	sld [smem:$0x3FFE];
	_ =	sdelay $0x1  }
0x8a: {  	s1 =	srdreg.scid  }
0x8b: {  	s0 =	sand.u32 $0x1, s1  }
0x8c: {  	s14 =	sshll.u32 s0, $0xA;
	s2 =	sadd.s32 s3, s2  }
0x8d: {  	s2 =	sadd.s32 s2, s14  }
0x8e: {  	[smem:$0x3FBC] =	sst s2  }
0x8f: {  	_ = 	snop  }
0x90: {  	s2 =	sld [smem:$0x3FD0];
	_ =	sdelay $0x2  }
0x91: {  	s15 =	simm.s32 $0xA;
	s4 =	simm.s32 $0x10  }
0x92: {  	[smem:s4], [sflag:s15] =	dma.local [hbm:s2], $0x1  }
0x93: {  	_ =	swait.eq [sflag:s15], $0x1  }
0x94: {  	[sflag:s15] =	ssyncset.done $0x0  }
0x95: {  	[sflag:s15] =	ssyncadd.s32 $0xFFFFFFFF  }
0x96: {  	s16 =	sld [smem:$0x10];
	(tm) =	ssettm $0x1  }
0x97: {  	s17 =	sld [smem:$0x3FFB];
	_ =	sdelay $0x3  }
0x98: {  	_ =	strace s17  }
0x99: {  	s3 =	sld [smem:$0x3FFC];
	_ =	sdelay $0x3  }
0x9a: {  	_ =	strace s3  }
0x9b: {  	s3 =	sld [smem:$0x3FFD];
	_ =	sdelay $0x3  }
0x9c: {  	_ =	strace s3  }
0x9d: {  	_ =	strace $0x8FFFFFFF  }
0x9e: {  	s18 =	sld [smem:$0x3FDB];
	_ =	sdelay $0x1  }
0x9f: {  	s19 =	simm.s32 $_scs_section_size  }
0xa0: {  	s5 =	simm.s32 $_size__tile_overlayer_lowered;
	s6 =	simm.s32 $_tile_overlayer_lowered  }
0xa1: {  	s22 =	simm.s32 $0x1BFF;
	s21 =	sshll.u32 s6, $0x1;
	s3 =	sadd.s32 s19, s18  }
0xa2: {  	s7 =	simm.s32 $0x0;
	s20 =	sshll.u32 s5, $0x1;
	s5 =	sadd.s32 s21, s3  }
0xa3: {  	[timem:s7], [sflag:s22] =	dma.local [hbm:s5], s20  }
0xa4: {  	_ =	swait.ge [sflag:s22], s20  }
0xa5: {  	s4 =	ssub.s32 $0x0, s20;
	[sflag:s22] =	ssyncset.done $0x0  }
0xa6: {  	[sflag:s22] =	ssyncadd.s32 s4;
	_ =	sdelay $0x1  }
0xa7: {  	s23 =	simm.s32 $0x1B8B  }
0xa8: {  	_ =	swait.ge [sflag:s23], $0x1  }
0xa9: {  	[sflag:s23] =	ssyncset.done $0x0  }
0xaa: {  	s25 =	simm.s32 $0x1B8E;
	s24 =	sld [smem:$0x3FFE];
	[sflag:s23] =	ssyncadd.s32 $0xFFFFFFFF  }
0xab: {  	s26 =	simm.s32 $execute0_lowered;
	[smem:$0x3FD2] =	sst s25  }
0xac: {  	s5 =	sshll.u32 s26, $0x1;
	_ =	strace $0x80000049;
	[dreg:$0x1] =	wrdreg $0xFFFFFFFF  }
0xad: {  	s28 =	simm.s32 $_size_execute0_lowered;
	s3 =	sadd.s32 s3, s5;
	[dreg:$0x0] =	wrdreg $0x0  }
0xae: {  	s5 =	sshll.u32 s28, $0x1;
	[dreg:$0x2] =	wrdreg s3  }
0xaf: {  	[dreg:$0x3] =	wrdreg s5  }
0xb0: {  	[dreg:$0x4] =	wrdreg $0xC0  }
0xb1: {  	_ =	task [dreg:s7], $0x5FFFF  }
0xb2: {  	[dreg:$0x1] =	wrdreg $0xFFFFFFFF  }
0xb3: {  	[dreg:$0x0] =	wrdreg $0x60  }
0xb4: {  	[dreg:$0x2] =	wrdreg s24  }
0xb5: {  	[dreg:$0x3] =	wrdreg s16  }
0xb6: {  	[dreg:$0x4] =	wrdreg $0x9  }
0xb7: {  	_ =	task.clear_ibuf [dreg:s7], $0x5FFFF;
	_ =	strace $0x90000049  }
0xb8: {  	s29 =	simm.s32 $0x9;
	_ =	strace $0x8000004B  }
0xb9: {  	_ =	swait.ge [sflag:s29], $0x1  }
0xba: {  	[sflag:s29] =	ssyncadd.s32 $0xFFFFFFFF  }
0xbb: {  	_ =	strace $0x9000004B  }
0xbc: {  	_ =	sfence  }
0xbd: {  	s30 =	sld [smem:$0x0];
	_ =	sdelay $0x2  }
0xbe: {  	s31 =	sshll.u32 s1, $0xD;
	s1 =	sshrl.u32 s1, $0x2  }
0xbf: {  	s3 =	sand.u32 $0x4000, s31;
	s1 =	sadd.s32 s1, s30  }
0xc0: {  	s0 =	sor.u32 s3, s0;
	s1 =	sshll.u32 s1, $0x11  }
0xc1: {  	s0 =	sor.u32 s1, s0  }
0xc2: {  	s0 =	sadd.s32 $0x8F2B, s0  }
0xc3: {  	[sflag:s0] =	ssyncadd.remote.s32 $0x1  }
0xc4: {  	_ =	sfence.sel $0xFFFF  }
0xc5: {  	[dreg:$0x0] =	wrdreg $0xFFFFFFFF;
	(pc) =	sbr.abs _section_cstart, $3  }
0xc6: {  	[dreg:$0x1] =	wrdreg $0xFFFFFFFF  }
0xc7: {  	_ =	task.clear_ibuf [dreg:s7], $0x2FFFF;
	_ =	strace $0x9FFFFFFF  }
0xc8: {  	(tm) =	ssettm $0x7FFFFFFF  }
0xc9: {  	_ =	shalt  }
tec
execute0_lowered:
.L_overlay_start_1:
0x0: {  	(tag) =	ssettag $0x1  }
0x1: {  	s1 =	srdreg.scid  }
0x2: {  	s0 =	stileid.u32;
	s10 =	sand.u32 $0x1, s1  }
0x3: {  	s9 =	rddreg [dreg:$0x0];
	s3 =	sshll.u32 s0, $0xC;
	s1 =	sshll.u32 s10, $0x10  }
0x4: {  	s2 =	rddreg [dreg:$0x1];
	s11 =	sor.u32 s3, s1  }
0x5: {  	s1 =	rddreg [dreg:$0x2];
	s3 =	simm.s32 $0x0;
	s4 =	sshrl.u32 s11, $0x3  }
0x6: {  	[smem:$0x7FF] =	sst s3;
	s4 =	sadd.s32 s4, s9  }
0x7: {  	_ =	strace $0x8000004A;
	s5 =	sadd.s32 $0x12C00, s4;
	s4 =	simm.s32 $0x2  }
0x8: {  	[tilespmem:s3], [sflag:$0x2] =	stream.linear.gather [hbm4b:s5+s3], $0x1000, $0x38;
	[tilespmem:$0x9000] =	vst v63  }
0x9: {  	_ =	swait.ge [sflag:s4], $0x1000  }
0xa: {  	s6 =	simm.s32 $0x800;
	[sflag:s4] =	ssyncset.done $0x0  }
0xb: {  	s7 =	simm.s32 $0x1000;
	s8 =	simm.s32 $0x1;
	[sflag:s4] =	ssyncadd.s32 $0xFFFFF000  }
0xc: {  	[tilespmem:s7], [sflag:$0x1] =	stream.indirect.gather [hbm4b:s2+s6], $0x10, s3, s6, $0xb8;
	[tilespmem:$0x9000] =	vst v63  }
0xd: {  	s11 =	sshll.u32 s11, $0x1;
	_ =	swait.ge [sflag:s8], $0x8000  }
0xe: {  	s11 =	sadd.s32 s11, s9;
	[sflag:s8] =	ssyncset.done $0x0  }
0xf: {  	s10 =	ssub.s32 $0x2, s10;
	s9 =	sadd.s32 $0x1AC00, s11;
	[sflag:s8] =	ssyncadd.s32 $0xFFFF8000  }
0x10: {  	[hbm4b:s9+s3] =	stream.linear.scatter [tilespmem:s7], [sflag:$0x2], $0x8000, $0x38;
	[tilespmem:$0x9000] =	vst v63  }
0x11: {  	s12 =	sshrl.u32 s10, $0x1;
	_ =	swait.ge [sflag:s4], $0x8000  }
0x12: {  	s12 =	ssub.s32 s10, s12;
	[sflag:s4] =	ssyncset.done $0x0  }
0x13: {  	s31 =	smax.u32 s12, $0x1;
	[sflag:s4] =	ssyncadd.s32 $0xFFFF8000  }
0x14: {  	[tilespmem:s7], [sflag:$0x1] =	stream.indirect.gather [hbm4b:s2+s6], $0x10, s6, s6, $0xb8;
	[tilespmem:$0x9000] =	vst v63  }
0x15: {  	p0 =	sne.s32 s31, $0x1;
	_ =	swait.ge [sflag:s8], $0x8000  }
.Ltmp0:
0x16: {  	[sflag:s8] =	ssyncset.done $0x0;
	(pc) =	sbr.rel @!p0 .LBB2_2-.Ltmp0, $4  }
0x17: {  	s10 =	sadd.s32 $0x1BC00, s11;
	[sflag:s8] =	ssyncadd.s32 $0xFFFF8000  }
0x18: {  	[hbm4b:s10+s3] =	stream.linear.scatter [tilespmem:s7], [sflag:$0x2], $0x8000, $0x38;
	[tilespmem:$0x9000] =	vst v63  }
0x19: {  	_ =	swait.ge [sflag:s4], $0x8000  }
0x1a: {  	s11 =	sadd.s32 $0xFFFFFFFF, s31;
	[sflag:s4] =	ssyncset.done $0x0  }
.LBB2_1:
0x1b: {  	p0 =	sne.s32 s11, $0x1;
	s11 =	sadd.s32 $0xFFFFFFFF, s11;
	[sflag:s4] =	ssyncadd.s32 $0xFFFF8000  }
0x1c: {  	[tilespmem:s3], [sflag:$0x2] =	stream.linear.gather [hbm4b:s5+s3], $0x1000, $0x38;
	[tilespmem:$0x9000] =	vst v63  }
0x1d: {  	_ =	swait.ge [sflag:s4], $0x1000  }
0x1e: {  	[sflag:s4] =	ssyncset.done $0x0  }
0x1f: {  	[sflag:s4] =	ssyncadd.s32 $0xFFFFF000  }
0x20: {  	[tilespmem:s7], [sflag:$0x1] =	stream.indirect.gather [hbm4b:s2+s6], $0x10, s3, s6, $0xb8;
	[tilespmem:$0x9000] =	vst v63  }
0x21: {  	_ =	swait.ge [sflag:s8], $0x8000  }
0x22: {  	[sflag:s8] =	ssyncset.done $0x0  }
0x23: {  	[sflag:s8] =	ssyncadd.s32 $0xFFFF8000  }
0x24: {  	[hbm4b:s9+s3] =	stream.linear.scatter [tilespmem:s7], [sflag:$0x2], $0x8000, $0x38;
	[tilespmem:$0x9000] =	vst v63  }
0x25: {  	_ =	swait.ge [sflag:s4], $0x8000  }
0x26: {  	[sflag:s4] =	ssyncset.done $0x0  }
0x27: {  	[sflag:s4] =	ssyncadd.s32 $0xFFFF8000  }
0x28: {  	[tilespmem:s7], [sflag:$0x1] =	stream.indirect.gather [hbm4b:s2+s6], $0x10, s6, s6, $0xb8;
	[tilespmem:$0x9000] =	vst v63  }
0x29: {  	_ =	swait.ge [sflag:s8], $0x8000  }
.Ltmp1:
0x2a: {  	[sflag:s8] =	ssyncset.done $0x0;
	(pc) =	sbr.rel @p0 .LBB2_1-.Ltmp1, $4  }
0x2b: {  	[sflag:s8] =	ssyncadd.s32 $0xFFFF8000  }
0x2c: {  	[hbm4b:s10+s3] =	stream.linear.scatter [tilespmem:s7], [sflag:$0x2], $0x8000, $0x38;
	[tilespmem:$0x9000] =	vst v63  }
0x2d: {  	_ =	swait.ge [sflag:s4], $0x8000  }
0x2e: {  	[sflag:s4] =	ssyncset.done $0x0  }
.LBB2_2:
0x2f: {  	[sflag:s4] =	ssyncadd.s32 $0xFFFF8000  }
0x30: {  	_ =	sfence.sel $0x180000  }
0x31: {  	[bflag:$0x0] =	sbarrier.arrive $0xFFFF  }
0x32: {  	p0 =	sne.s32 s0, $0x0;
	_ =	strace $0x9000004A  }
0x33: {  	s0 =	sadd.s32 @!p0 $0x100000, s1;
	[bflag:$0x2] =	sbarrier.arrive $0xFFFF  }
0x34: {  	[sflag:s0] =	ssyncadd.tile.s32 @!p0 $0x1;
	_ =	shalt  }
.Lfunc_end2:
_tile_overlayer_lowered:
.L_overlay_start_2:
0x35: {  	(tag) =	ssettag $0x2  }
0x36: {  	s0 =	rddreg [dreg:$0x0];
	s2 =	stileid.u32  }
0x37: {  	s1 =	rddreg [dreg:$0x1];
	p0 =	sne.s32 s2, $0x0  }
0x38: {  	s3 =	rddreg [dreg:$0x2];
	[bflag:$0x3] =	sbarrier.arrive $0xFFFF;
	s2 =	simm.s32 @!p0 $0x1C02  }
0x39: {  	[timem:s3], [sflag:s2] =	dma.local @!p0 [hbm:s0], s1  }
0x3a: {  	s0 =	simm.s32 @!p0 $0x2  }
0x3b: {  	_ =	swait.ge @!p0 [sflag:s0], s1  }
0x3c: {  	s1 =	ssub.s32 @!p0 $0x0, s1;
	[sflag:s0] =	ssyncset.done @!p0 $0x0  }
0x3d: {  	[sflag:s0] =	ssyncadd.s32 @!p0 s1  }
0x3e: {  	[bflag:$0x3] =	sbarrier.arrive $0xFFFF  }
0x3f: {  	_ =	shalt  }

</sc_bundles>
